<compile_context>
chip_gen: v7x
topology: tpu7x:2x2x1
jax: 0.10.2.dev20260603
libtpu: 0.0.44.dev20260713+nightly
codegen_flags: <defaults>
</compile_context>

<pallas_src>
import functools

import jax
import jax.numpy as jnp
from jax import lax
from jax.experimental import pallas as pl
from jax.experimental.pallas import tpu as pltpu
from jax.experimental.pallas import tpu_sc as plsc

N = 10000
NT = 320000
HID = 32
OUT_DIM = 24

NS = 16
NC = 2
CH = 640
NPAD = NS * CH
TI = NT // NS
BM = 400


def _embed_body(adj_ref, nf_ref, w1s_ref, w2s_ref, w1d_ref, w2d_ref,
                win_ref, bin_ref, wout_ref, bout_ref, si_ref, so_ref):
    h = jnp.dot(adj_ref[...], nf_ref[...], preferred_element_type=jnp.float32)
    vs = jnp.dot(w2s_ref[...], wout_ref[...], preferred_element_type=jnp.float32)
    vd = jnp.dot(w2d_ref[...], win_ref[...], preferred_element_type=jnp.float32)
    a_s = jnp.tanh(h * w1s_ref[...])
    a_d = jnp.tanh(h * w1d_ref[...])
    so_ref[...] = jnp.dot(a_s, vs, preferred_element_type=jnp.float32) + bout_ref[0, 0]
    si_ref[...] = jnp.dot(a_d, vd, preferred_element_type=jnp.float32) + bin_ref[0, 0]


def _embed_call(adjm, nf, W1s, W2s, W1d, W2d, Win, bin2, Wout, bout2):
    const = lambda i: (0, 0)
    return pl.pallas_call(
        _embed_body,
        grid=(N // BM,),
        in_specs=[
            pl.BlockSpec((BM, N), lambda i: (i, 0)),
            pl.BlockSpec((N, 1), const),
            pl.BlockSpec((1, HID), const),
            pl.BlockSpec((HID, OUT_DIM), const),
            pl.BlockSpec((1, HID), const),
            pl.BlockSpec((HID, OUT_DIM), const),
            pl.BlockSpec((OUT_DIM, 1), const),
            pl.BlockSpec((1, 1), const),
            pl.BlockSpec((OUT_DIM, 1), const),
            pl.BlockSpec((1, 1), const),
        ],
        out_specs=[pl.BlockSpec((BM, 1), lambda i: (i, 0)),
                   pl.BlockSpec((BM, 1), lambda i: (i, 0))],
        out_shape=[jax.ShapeDtypeStruct((N, 1), jnp.float32),
                   jax.ShapeDtypeStruct((N, 1), jnp.float32)],
    )(adjm, nf, W1s, W2s, W1d, W2d, Win, bin2, Wout, bout2)


def _unique_body(idx_hbm, ids_hbm, idx_v, pres_v, slice_all, pres_chunk,
                 compact_v, pos2d, zero_v, tot_buf, totals_local,
                 presence_sp, totals_sp, sem):
    c = lax.axis_index("c")
    t = lax.axis_index("s")
    iota = lax.iota(jnp.int32, 16)
    zero16 = jnp.zeros((16,), jnp.int32)
    one16 = jnp.ones((16,), jnp.int32)

    idx_cp = pltpu.async_copy(idx_hbm.at[pl.ds(c * NT + t * TI, TI)],
                              idx_v, sem)

    def _z(i, carry):
        for k in range(5):
            pres_v[pl.ds(i * 80 + k * 16, 16)] = zero16
        return carry
    lax.fori_loop(0, NPAD // 80, _z, 0)
    def _z2(i, carry):
        for k in range(5):
            zero_v[pl.ds(i * 80 + k * 16, 16)] = zero16
        return carry
    lax.fori_loop(0, CH // 80, _z2, 0)

    pltpu.sync_copy(zero_v, ids_hbm.at[pl.ds(c * NPAD + t * CH, CH)])
    idx_cp.wait()

    def _scat(i, carry):
        for k in range(5):
            iv = idx_v[pl.ds(i * 80 + k * 16, 16)]
            plsc.store_scatter(pres_v, [iv], one16)
        return carry
    lax.fori_loop(0, TI // 80, _scat, 0)

    pltpu.sync_copy(pres_v, presence_sp.at[t])
    plsc.subcore_barrier()

    pltpu.sync_copy(presence_sp.at[:, pl.ds(t * CH, CH)], slice_all)

    g0 = t * CH
    def _merge(j, tot):
        acc = zero16
        for u in range(NS):
            acc = acc | slice_all[u, pl.ds(j * 16, 16)]
        m = (acc > 0) & (g0 + j * 16 + iota < N)
        mi = m.astype(jnp.int32)
        pres_chunk[pl.ds(j * 16, 16)] = mi
        return tot + jnp.sum(mi)
    total_t = lax.fori_loop(0, CH // 16, _merge, jnp.int32(0))

    tot_buf[...] = jnp.broadcast_to(total_t, (16,))
    pltpu.sync_copy(tot_buf, totals_sp.at[pl.ds(t * 16, 16)])
    plsc.subcore_barrier()

    pltpu.sync_copy(totals_sp, totals_local)
    totals_v = plsc.load_gather(totals_local, [iota * 16])
    off0 = jnp.sum(jnp.where(iota < t, totals_v, 0))
    base = c * NPAD + off0
    dump = c * NPAD + N + t

    for k in range(CH // 16):
        lk = k * 16 + iota
        p = jnp.where(lk < total_t, base + lk, dump)
        pos2d[k // 8, pl.ds((k % 8) * 16, 16)] = p

    def _comp(j, off):
        m = pres_chunk[pl.ds(j * 16, 16)] > 0
        ids = g0 + j * 16 + iota
        mi = m.astype(jnp.int32)
        rank = plsc.cumsum(mi)
        posl = jnp.where(m, off + rank - 1, 0)
        plsc.store_scatter(compact_v, [posl], ids, mask=m)
        return off + jnp.sum(mi)
    lax.fori_loop(0, CH // 16, _comp, jnp.int32(0))

    handles = [pltpu.async_copy(compact_v.at[pl.ds(r * 128, 128)],
                                ids_hbm.at[pos2d.at[r]], sem)
               for r in range(CH // 128)]
    for h in handles:
        h.wait()


def _gather_body(ids_hbm, scal_hbm, out_hbm, ids_v, scal_all, out_v):
    c = lax.axis_index("c")
    t = lax.axis_index("s")

    pltpu.sync_copy(scal_hbm.at[pl.ds(c * NPAD, NPAD)], scal_all)
    pltpu.sync_copy(ids_hbm.at[pl.ds(c * NPAD + t * CH, CH)], ids_v)

    def _g(j, carry):
        iv = ids_v[pl.ds(j * 16, 16)]
        out_v[pl.ds(j * 16, 16)] = plsc.load_gather(scal_all, [iv])
        return carry
    lax.fori_loop(0, CH // 16, _g, 0)

    pltpu.sync_copy(out_v, out_hbm.at[pl.ds(c * NPAD + t * CH, CH)])


@functools.lru_cache(maxsize=1)
def _sc_kernels():
    mesh = plsc.VectorSubcoreMesh(core_axis_name="c", subcore_axis_name="s",
                                  num_cores=NC, num_subcores=NS)
    params = pltpu.CompilerParams(needs_layout_passes=False)
    unique_k = pl.kernel(
        _unique_body,
        out_type=jax.ShapeDtypeStruct((2 * NPAD,), jnp.int32),
        mesh=mesh,
        compiler_params=params,
        scratch_types=[
            pltpu.VMEM((TI,), jnp.int32),
            pltpu.VMEM((NPAD,), jnp.int32),
            pltpu.VMEM((NS, CH), jnp.int32),
            pltpu.VMEM((CH,), jnp.int32),
            pltpu.VMEM((CH,), jnp.int32),
            pltpu.VMEM((CH // 128, 128), jnp.int32),
            pltpu.VMEM((CH,), jnp.int32),
            pltpu.VMEM((16,), jnp.int32),
            pltpu.VMEM((NS * 16,), jnp.int32),
            pltpu.VMEM_SHARED((NS, NPAD), jnp.int32),
            pltpu.VMEM_SHARED((NS * 16,), jnp.int32),
            pltpu.SemaphoreType.DMA,
        ],
    )
    gather_k = pl.kernel(
        _gather_body,
        out_type=jax.ShapeDtypeStruct((2 * NPAD,), jnp.float32),
        mesh=mesh,
        compiler_params=params,
        scratch_types=[
            pltpu.VMEM((CH,), jnp.int32),
            pltpu.VMEM((NPAD,), jnp.float32),
            pltpu.VMEM((CH,), jnp.float32),
        ],
    )
    return unique_k, gather_k


def kernel(adjm, node_feats, trip_od, W1s, W2s, W1d, W2d, Win, bin_, Wout, bout):
    unique_k, gather_k = _sc_kernels()
    idx2 = jnp.concatenate([trip_od[:, 1], trip_od[:, 0]]).astype(jnp.int32)
    ids2 = unique_k(idx2)

    scal_in, scal_out = _embed_call(
        adjm, node_feats, W1s, W2s, W1d, W2d,
        Win, bin_.reshape(1, 1), Wout, bout.reshape(1, 1))
    pad = NPAD - N
    scal2 = jnp.concatenate([
        jnp.pad(scal_in[:, 0], (0, pad)),
        jnp.pad(scal_out[:, 0], (0, pad)),
    ])

    out_flat = gather_k(ids2, scal2)
    return jnp.stack([out_flat[:N], out_flat[NPAD:NPAD + N]], axis=1)

# --- scband reference (transcript-rebuilt; emitter-appended) ---
"""Pipeline reference for scband-tgatml-26259430048436 (READ-ONLY COPY).

The authoritative reference and input builder live on the scoring server;
editing this copy changes nothing except your own understanding.
"""

import jax, jax.numpy as jnp
import numpy as np

N_NODES = 10000
N_TRIPS = 320000
HID = 32
OUT_DIM = 24


def setup_inputs(seed: int = 0) -> dict:
    key = jax.random.key(seed)
    ks = jax.random.split(key, 12)
    adjm = jax.random.uniform(ks[0], (N_NODES, N_NODES), dtype=jnp.float32)
    node_feats = jax.random.normal(ks[1], (N_NODES, 1), dtype=jnp.float32)
    trip_od = jax.random.randint(ks[2], (N_TRIPS, 2), 0, N_NODES, dtype=jnp.int32)
    W1s = jax.random.normal(ks[3], (1, HID), dtype=jnp.float32) * 0.1
    W2s = jax.random.normal(ks[4], (HID, OUT_DIM), dtype=jnp.float32) * 0.1
    W1d = jax.random.normal(ks[5], (1, HID), dtype=jnp.float32) * 0.1
    W2d = jax.random.normal(ks[6], (HID, OUT_DIM), dtype=jnp.float32) * 0.1
    Win = jax.random.normal(ks[7], (OUT_DIM, 1), dtype=jnp.float32) * 0.1
    bin_ = jnp.zeros((1,), dtype=jnp.float32)
    Wout = jax.random.normal(ks[8], (OUT_DIM, 1), dtype=jnp.float32) * 0.1
    bout = jnp.zeros((1,), dtype=jnp.float32)
    return {"adjm": adjm, "node_feats": node_feats, "trip_od": trip_od,
            "W1s": W1s, "W2s": W2s, "W1d": W1d, "W2d": W2d,
            "Win": Win, "bin_": bin_, "Wout": Wout, "bout": bout}


def reference(adjm, node_feats, trip_od, W1s, W2s, W1d, W2d, Win, bin_, Wout, bout):
    # TCNGAT-style embedding (graph aggregation over dense adjm, then MLP),
    # producing squeezed [N, out_dim] embeddings as in src_embed()/dst_embed().
    def embed(W1, W2):
        h = adjm @ node_feats          # [N, in_dim] neighborhood aggregation
        h = jnp.tanh(h @ W1)           # [N, HID]
        return h @ W2                  # [N, OUT_DIM]

    src_embedding = embed(W1s, W2s)
    dst_embedding = embed(W1d, W2d)

    n = adjm.shape[0]
    # est_inflow: unique destination nodes, gather dst embedding, linear regressor
    in_nodes = jnp.unique(trip_od[:, 1], size=n, fill_value=0)
    inflow_est = dst_embedding[in_nodes] @ Win + bin_
    # est_outflow: unique origin nodes, gather src embedding, linear regressor
    out_nodes = jnp.unique(trip_od[:, 0], size=n, fill_value=0)
    outflow_est = src_embedding[out_nodes] @ Wout + bout
    return jnp.concatenate([inflow_est, outflow_est], axis=1)  # [N, 2]

if __name__ == "__main__":
    import jax
    _d = setup_inputs()
    print(jax.jit(kernel)(*tuple(_d.values())))

</pallas_src>

<mosaic_0001>
#map = affine_map<(d0, d1) -> (0)>
module attributes {stable_mosaic.version = 14 : i64} {
  func.func @_gather_body(%arg0: i32, %arg1: i32, %arg2: memref<20480xi32, #tpu.memory_space<hbm>>, %arg3: memref<20480xf32, #tpu.memory_space<hbm>>, %arg4: memref<20480xf32, #tpu.memory_space<hbm>>, %arg5: memref<640xi32, #tpu.memory_space<vmem>>, %arg6: memref<10240xf32, #tpu.memory_space<vmem>>, %arg7: memref<640xf32, #tpu.memory_space<vmem>>) attributes {dimension_semantics = [#tpu.dimension_semantics<core_parallel>, #tpu.dimension_semantics<subcore_parallel>], iteration_bounds = array<i64: 2, 16>, scalar_prefetch = 0 : i64, scratch_operands = 3 : i64, tpu.core_type = #tpu.core_type<sc_vector_subcore>, window_params = [{transform_indices = #map}, {transform_indices = #map}, {transform_indices = #map}]} {
    %mul3A = arith.constant 10240 : i32
    %mul3A_0 = arith.muli %arg0, %mul3A : i32
    "tpu.region"() ({
      %run_scoped3A = tpu.sem_alloc : memref<!tpu.dma_semaphore, #tpu.memory_space<semaphore_mem>>
      %dma_start3A = tpu.memref_slice %arg3[%mul3A_0] : memref<20480xf32, #tpu.memory_space<hbm>> -> memref<10240xf32, #tpu.memory_space<hbm>>
      %dma_start3A_15 = tpu.memref_slice %arg3[%mul3A_0] : memref<20480xf32, #tpu.memory_space<hbm>> -> memref<10240xf32, #tpu.memory_space<hbm>>
      tpu.enqueue_dma source(%dma_start3A_15 : memref<10240xf32, #tpu.memory_space<hbm>>) target(%arg6 : memref<10240xf32, #tpu.memory_space<vmem>>) target_semaphore(%run_scoped3A : memref<!tpu.dma_semaphore, #tpu.memory_space<semaphore_mem>>)
      %dma_wait3A = tpu.memref_slice %arg3[%mul3A_0] : memref<20480xf32, #tpu.memory_space<hbm>> -> memref<10240xf32, #tpu.memory_space<hbm>>
      %dma_wait3A_16 = tpu.memref_slice %arg3[%mul3A_0] : memref<20480xf32, #tpu.memory_space<hbm>> -> memref<10240xf32, #tpu.memory_space<hbm>>
      tpu.wait_dma2 semaphore(%run_scoped3A : memref<!tpu.dma_semaphore, #tpu.memory_space<semaphore_mem>>) src(%dma_wait3A_16 : memref<10240xf32, #tpu.memory_space<hbm>>) dst(%arg6 : memref<10240xf32, #tpu.memory_space<vmem>>)
      tpu.yield
    }) : () -> ()
    %mul3A_1 = arith.constant 10240 : i32
    %mul3A_2 = arith.muli %arg0, %mul3A_1 : i32
    %mul3A_3 = arith.constant 640 : i32
    %mul3A_4 = arith.muli %arg1, %mul3A_3 : i32
    %add3A = arith.addi %mul3A_2, %mul3A_4 : i32
    "tpu.region"() ({
      %run_scoped3A = tpu.sem_alloc : memref<!tpu.dma_semaphore, #tpu.memory_space<semaphore_mem>>
      %dma_start3A = tpu.memref_slice %arg2[%add3A] : memref<20480xi32, #tpu.memory_space<hbm>> -> memref<640xi32, #tpu.memory_space<hbm>>
      %dma_start3A_15 = tpu.memref_slice %arg2[%add3A] : memref<20480xi32, #tpu.memory_space<hbm>> -> memref<640xi32, #tpu.memory_space<hbm>>
      tpu.enqueue_dma source(%dma_start3A_15 : memref<640xi32, #tpu.memory_space<hbm>>) target(%arg5 : memref<640xi32, #tpu.memory_space<vmem>>) target_semaphore(%run_scoped3A : memref<!tpu.dma_semaphore, #tpu.memory_space<semaphore_mem>>)
      %dma_wait3A = tpu.memref_slice %arg2[%add3A] : memref<20480xi32, #tpu.memory_space<hbm>> -> memref<640xi32, #tpu.memory_space<hbm>>
      %dma_wait3A_16 = tpu.memref_slice %arg2[%add3A] : memref<20480xi32, #tpu.memory_space<hbm>> -> memref<640xi32, #tpu.memory_space<hbm>>
      tpu.wait_dma2 semaphore(%run_scoped3A : memref<!tpu.dma_semaphore, #tpu.memory_space<semaphore_mem>>) src(%dma_wait3A_16 : memref<640xi32, #tpu.memory_space<hbm>>) dst(%arg5 : memref<640xi32, #tpu.memory_space<vmem>>)
      tpu.yield
    }) : () -> ()
    %scan3A = arith.constant 0 : i32
    %scan3A_5 = arith.constant 0 : i32
    %scan3A_6 = arith.constant 40 : i32
    %scan3A_7 = arith.addi %scan3A_5, %scan3A_6 : i32
    %scan3A_8 = arith.constant 1 : i32
    scf.for %scan3A_15 = %scan3A_5 to %scan3A_7 step %scan3A_8  : i32 {
      %mul3A_16 = arith.constant 16 : i32
      %mul3A_17 = arith.muli %scan3A_15, %mul3A_16 : i32
      %get3A = arith.index_cast %mul3A_17 : i32 to index
      %get3A_18 = tpu.vector_load %arg5[%get3A] {strides = array<i32>} : memref<640xi32, #tpu.memory_space<vmem>>, vector<16xi32>,
      %gather3A = tpu.vector_load_idx %arg6[%get3A_18] : memref<10240xf32, #tpu.memory_space<vmem>>[vector<16xi32>], vector<16xf32>,
      %mul3A_19 = arith.constant 16 : i32
      %mul3A_20 = arith.muli %scan3A_15, %mul3A_19 : i32
      %swap3A = arith.index_cast %mul3A_20 : i32 to index
      %swap3A_21 = tpu.vector_load %arg7[%swap3A] {strides = array<i32>} : memref<640xf32, #tpu.memory_space<vmem>>, vector<16xf32>,
      tpu.vector_store %arg7[%swap3A], %gather3A {strides = array<i32>} : memref<640xf32, #tpu.memory_space<vmem>>, vector<16xf32>,
    }
    %scan3A_9 = arith.constant 40 : i32
    %mul3A_10 = arith.constant 10240 : i32
    %mul3A_11 = arith.muli %arg0, %mul3A_10 : i32
    %mul3A_12 = arith.constant 640 : i32
    %mul3A_13 = arith.muli %arg1, %mul3A_12 : i32
    %add3A_14 = arith.addi %mul3A_11, %mul3A_13 : i32
    "tpu.region"() ({
      %run_scoped3A = tpu.sem_alloc : memref<!tpu.dma_semaphore, #tpu.memory_space<semaphore_mem>>
      %dma_start3A = tpu.memref_slice %arg4[%add3A_14] : memref<20480xf32, #tpu.memory_space<hbm>> -> memref<640xf32, #tpu.memory_space<hbm>>
      %dma_start3A_15 = tpu.memref_slice %arg4[%add3A_14] : memref<20480xf32, #tpu.memory_space<hbm>> -> memref<640xf32, #tpu.memory_space<hbm>>
      tpu.enqueue_dma source(%arg7 : memref<640xf32, #tpu.memory_space<vmem>>) target(%dma_start3A_15 : memref<640xf32, #tpu.memory_space<hbm>>) target_semaphore(%run_scoped3A : memref<!tpu.dma_semaphore, #tpu.memory_space<semaphore_mem>>)
      %dma_wait3A = tpu.memref_slice %arg4[%add3A_14] : memref<20480xf32, #tpu.memory_space<hbm>> -> memref<640xf32, #tpu.memory_space<hbm>>
      %dma_wait3A_16 = tpu.memref_slice %arg4[%add3A_14] : memref<20480xf32, #tpu.memory_space<hbm>> -> memref<640xf32, #tpu.memory_space<hbm>>
      tpu.wait_dma2 semaphore(%run_scoped3A : memref<!tpu.dma_semaphore, #tpu.memory_space<semaphore_mem>>) src(%arg7 : memref<640xf32, #tpu.memory_space<vmem>>) dst(%dma_wait3A_16 : memref<640xf32, #tpu.memory_space<hbm>>)
      tpu.yield
    }) : () -> ()
    return
  }
}

#map = affine_map<(d0, d1) -> (0)>
module attributes {stable_mosaic.version = 14 : i64} {
  func.func @_unique_body(%arg0: i32, %arg1: i32, %arg2: memref<640000xi32, #tpu.memory_space<hbm>>, %arg3: memref<20480xi32, #tpu.memory_space<hbm>>, %arg4: memref<20000xi32, #tpu.memory_space<vmem>>, %arg5: memref<10240xi32, #tpu.memory_space<vmem>>, %arg6: memref<16x640xi32, #tpu.memory_space<vmem>>, %arg7: memref<640xi32, #tpu.memory_space<vmem>>, %arg8: memref<640xi32, #tpu.memory_space<vmem>>, %arg9: memref<5x128xi32, #tpu.memory_space<vmem>>, %arg10: memref<640xi32, #tpu.memory_space<vmem>>, %arg11: memref<16xi32, #tpu.memory_space<vmem>>, %arg12: memref<256xi32, #tpu.memory_space<vmem>>, %arg13: memref<16x10240xi32, #tpu.memory_space<vmem_shared>>, %arg14: memref<256xi32, #tpu.memory_space<vmem_shared>>, %arg15: memref<!tpu.dma_semaphore, #tpu.memory_space<semaphore_mem>>) attributes {dimension_semantics = [#tpu.dimension_semantics<core_parallel>, #tpu.dimension_semantics<subcore_parallel>], iteration_bounds = array<i64: 2, 16>, scalar_prefetch = 0 : i64, scratch_operands = 12 : i64, tpu.core_type = #tpu.core_type<sc_vector_subcore>, window_params = [{transform_indices = #map}, {transform_indices = #map}]} {
    %iota3A = tpu.iota {dimensions = array<i32: 0>} : vector<16xi32>
    %broadcast_in_dim3A = arith.constant 0 : i32
    %broadcast_in_dim3A_0 = vector.broadcast %broadcast_in_dim3A : i32 to vector<16xi32>
    %broadcast_in_dim3A_1 = arith.constant 1 : i32
    %broadcast_in_dim3A_2 = vector.broadcast %broadcast_in_dim3A_1 : i32 to vector<16xi32>
    %mul3A = arith.constant 320000 : i32
    %mul3A_3 = arith.muli %arg0, %mul3A : i32
    %mul3A_4 = arith.constant 20000 : i32
    %mul3A_5 = arith.muli %arg1, %mul3A_4 : i32
    %add3A = arith.addi %mul3A_3, %mul3A_5 : i32
    %dma_start3A = tpu.memref_slice %arg2[%add3A] : memref<640000xi32, #tpu.memory_space<hbm>> -> memref<20000xi32, #tpu.memory_space<hbm>>
    %dma_start3A_6 = tpu.memref_slice %arg2[%add3A] : memref<640000xi32, #tpu.memory_space<hbm>> -> memref<20000xi32, #tpu.memory_space<hbm>>
    tpu.enqueue_dma source(%dma_start3A_6 : memref<20000xi32, #tpu.memory_space<hbm>>) target(%arg4 : memref<20000xi32, #tpu.memory_space<vmem>>) target_semaphore(%arg15 : memref<!tpu.dma_semaphore, #tpu.memory_space<semaphore_mem>>)
    %scan3A = arith.constant 0 : i32
    %scan3A_7 = arith.constant 0 : i32
    %scan3A_8 = arith.constant 128 : i32
    %scan3A_9 = arith.addi %scan3A_7, %scan3A_8 : i32
    %scan3A_10 = arith.constant 1 : i32
    scf.for %scan3A_669 = %scan3A_7 to %scan3A_9 step %scan3A_10  : i32 {
      %mul3A_670 = arith.constant 80 : i32
      %mul3A_671 = arith.muli %scan3A_669, %mul3A_670 : i32
      %add3A_672 = arith.constant 0 : i32
      %add3A_673 = arith.addi %mul3A_671, %add3A_672 : i32
      %swap3A_674 = arith.index_cast %add3A_673 : i32 to index
      %swap3A_675 = tpu.vector_load %arg5[%swap3A_674] {strides = array<i32>} : memref<10240xi32, #tpu.memory_space<vmem>>, vector<16xi32>,
      tpu.vector_store %arg5[%swap3A_674], %broadcast_in_dim3A_0 {strides = array<i32>} : memref<10240xi32, #tpu.memory_space<vmem>>, vector<16xi32>,
      %mul3A_676 = arith.constant 80 : i32
      %mul3A_677 = arith.muli %scan3A_669, %mul3A_676 : i32
      %add3A_678 = arith.constant 16 : i32
      %add3A_679 = arith.addi %mul3A_677, %add3A_678 : i32
      %swap3A_680 = arith.index_cast %add3A_679 : i32 to index
      %swap3A_681 = tpu.vector_load %arg5[%swap3A_680] {strides = array<i32>} : memref<10240xi32, #tpu.memory_space<vmem>>, vector<16xi32>,
      tpu.vector_store %arg5[%swap3A_680], %broadcast_in_dim3A_0 {strides = array<i32>} : memref<10240xi32, #tpu.memory_space<vmem>>, vector<16xi32>,
      %mul3A_682 = arith.constant 80 : i32
      %mul3A_683 = arith.muli %scan3A_669, %mul3A_682 : i32
      %add3A_684 = arith.constant 32 : i32
      %add3A_685 = arith.addi %mul3A_683, %add3A_684 : i32
      %swap3A_686 = arith.index_cast %add3A_685 : i32 to index
      %swap3A_687 = tpu.vector_load %arg5[%swap3A_686] {strides = array<i32>} : memref<10240xi32, #tpu.memory_space<vmem>>, vector<16xi32>,
      tpu.vector_store %arg5[%swap3A_686], %broadcast_in_dim3A_0 {strides = array<i32>} : memref<10240xi32, #tpu.memory_space<vmem>>, vector<16xi32>,
      %mul3A_688 = arith.constant 80 : i32
      %mul3A_689 = arith.muli %scan3A_669, %mul3A_688 : i32
      %add3A_690 = arith.constant 48 : i32
      %add3A_691 = arith.addi %mul3A_689, %add3A_690 : i32
      %swap3A_692 = arith.index_cast %add3A_691 : i32 to index
      %swap3A_693 = tpu.vector_load %arg5[%swap3A_692] {strides = array<i32>} : memref<10240xi32, #tpu.memory_space<vmem>>, vector<16xi32>,
      tpu.vector_store %arg5[%swap3A_692], %broadcast_in_dim3A_0 {strides = array<i32>} : memref<10240xi32, #tpu.memory_space<vmem>>, vector<16xi32>,
      %mul3A_694 = arith.constant 80 : i32
      %mul3A_695 = arith.muli %scan3A_669, %mul3A_694 : i32
      %add3A_696 = arith.constant 64 : i32
      %add3A_697 = arith.addi %mul3A_695, %add3A_696 : i32
      %swap3A_698 = arith.index_cast %add3A_697 : i32 to index
      %swap3A_699 = tpu.vector_load %arg5[%swap3A_698] {strides = array<i32>} : memref<10240xi32, #tpu.memory_space<vmem>>, vector<16xi32>,
      tpu.vector_store %arg5[%swap3A_698], %broadcast_in_dim3A_0 {strides = array<i32>} : memref<10240xi32, #tpu.memory_space<vmem>>, vector<16xi32>,
    }
    %scan3A_11 = arith.constant 128 : i32
    %scan3A_12 = arith.constant 0 : i32
    %scan3A_13 = arith.constant 0 : i32
    %scan3A_14 = arith.constant 8 : i32
    %scan3A_15 = arith.addi %scan3A_13, %scan3A_14 : i32
    %scan3A_16 = arith.constant 1 : i32
    scf.for %scan3A_669 = %scan3A_13 to %scan3A_15 step %scan3A_16  : i32 {
      %mul3A_670 = arith.constant 80 : i32
      %mul3A_671 = arith.muli %scan3A_669, %mul3A_670 : i32
      %add3A_672 = arith.constant 0 : i32
      %add3A_673 = arith.addi %mul3A_671, %add3A_672 : i32
      %swap3A_674 = arith.index_cast %add3A_673 : i32 to index
      %swap3A_675 = tpu.vector_load %arg10[%swap3A_674] {strides = array<i32>} : memref<640xi32, #tpu.memory_space<vmem>>, vector<16xi32>,
      tpu.vector_store %arg10[%swap3A_674], %broadcast_in_dim3A_0 {strides = array<i32>} : memref<640xi32, #tpu.memory_space<vmem>>, vector<16xi32>,
      %mul3A_676 = arith.constant 80 : i32
      %mul3A_677 = arith.muli %scan3A_669, %mul3A_676 : i32
      %add3A_678 = arith.constant 16 : i32
      %add3A_679 = arith.addi %mul3A_677, %add3A_678 : i32
      %swap3A_680 = arith.index_cast %add3A_679 : i32 to index
      %swap3A_681 = tpu.vector_load %arg10[%swap3A_680] {strides = array<i32>} : memref<640xi32, #tpu.memory_space<vmem>>, vector<16xi32>,
      tpu.vector_store %arg10[%swap3A_680], %broadcast_in_dim3A_0 {strides = array<i32>} : memref<640xi32, #tpu.memory_space<vmem>>, vector<16xi32>,
      %mul3A_682 = arith.constant 80 : i32
      %mul3A_683 = arith.muli %scan3A_669, %mul3A_682 : i32
      %add3A_684 = arith.constant 32 : i32
      %add3A_685 = arith.addi %mul3A_683, %add3A_684 : i32
      %swap3A_686 = arith.index_cast %add3A_685 : i32 to index
      %swap3A_687 = tpu.vector_load %arg10[%swap3A_686] {strides = array<i32>} : memref<640xi32, #tpu.memory_space<vmem>>, vector<16xi32>,
      tpu.vector_store %arg10[%swap3A_686], %broadcast_in_dim3A_0 {strides = array<i32>} : memref<640xi32, #tpu.memory_space<vmem>>, vector<16xi32>,
      %mul3A_688 = arith.constant 80 : i32
      %mul3A_689 = arith.muli %scan3A_669, %mul3A_688 : i32
      %add3A_690 = arith.constant 48 : i32
      %add3A_691 = arith.addi %mul3A_689, %add3A_690 : i32
      %swap3A_692 = arith.index_cast %add3A_691 : i32 to index
      %swap3A_693 = tpu.vector_load %arg10[%swap3A_692] {strides = array<i32>} : memref<640xi32, #tpu.memory_space<vmem>>, vector<16xi32>,
      tpu.vector_store %arg10[%swap3A_692], %broadcast_in_dim3A_0 {strides = array<i32>} : memref<640xi32, #tpu.memory_space<vmem>>, vector<16xi32>,
      %mul3A_694 = arith.constant 80 : i32
      %mul3A_695 = arith.muli %scan3A_669, %mul3A_694 : i32
      %add3A_696 = arith.constant 64 : i32
      %add3A_697 = arith.addi %mul3A_695, %add3A_696 : i32
      %swap3A_698 = arith.index_cast %add3A_697 : i32 to index
      %swap3A_699 = tpu.vector_load %arg10[%swap3A_698] {strides = array<i32>} : memref<640xi32, #tpu.memory_space<vmem>>, vector<16xi32>,
      tpu.vector_store %arg10[%swap3A_698], %broadcast_in_dim3A_0 {strides = array<i32>} : memref<640xi32, #tpu.memory_space<vmem>>, vector<16xi32>,
    }
    %scan3A_17 = arith.constant 8 : i32
    %mul3A_18 = arith.constant 10240 : i32
    %mul3A_19 = arith.muli %arg0, %mul3A_18 : i32
    %mul3A_20 = arith.constant 640 : i32
    %mul3A_21 = arith.muli %arg1, %mul3A_20 : i32
    %add3A_22 = arith.addi %mul3A_19, %mul3A_21 : i32
    "tpu.region"() ({
      %run_scoped3A = tpu.sem_alloc : memref<!tpu.dma_semaphore, #tpu.memory_space<semaphore_mem>>
      %dma_start3A_669 = tpu.memref_slice %arg3[%add3A_22] : memref<20480xi32, #tpu.memory_space<hbm>> -> memref<640xi32, #tpu.memory_space<hbm>>
      %dma_start3A_670 = tpu.memref_slice %arg3[%add3A_22] : memref<20480xi32, #tpu.memory_space<hbm>> -> memref<640xi32, #tpu.memory_space<hbm>>
      tpu.enqueue_dma source(%arg10 : memref<640xi32, #tpu.memory_space<vmem>>) target(%dma_start3A_670 : memref<640xi32, #tpu.memory_space<hbm>>) target_semaphore(%run_scoped3A : memref<!tpu.dma_semaphore, #tpu.memory_space<semaphore_mem>>)
      %dma_wait3A_671 = tpu.memref_slice %arg3[%add3A_22] : memref<20480xi32, #tpu.memory_space<hbm>> -> memref<640xi32, #tpu.memory_space<hbm>>
      %dma_wait3A_672 = tpu.memref_slice %arg3[%add3A_22] : memref<20480xi32, #tpu.memory_space<hbm>> -> memref<640xi32, #tpu.memory_space<hbm>>
      tpu.wait_dma2 semaphore(%run_scoped3A : memref<!tpu.dma_semaphore, #tpu.memory_space<semaphore_mem>>) src(%arg10 : memref<640xi32, #tpu.memory_space<vmem>>) dst(%dma_wait3A_672 : memref<640xi32, #tpu.memory_space<hbm>>)
      tpu.yield
    }) : () -> ()
    %dma_wait3A = tpu.memref_slice %arg2[%add3A] : memref<640000xi32, #tpu.memory_space<hbm>> -> memref<20000xi32, #tpu.memory_space<hbm>>
    %dma_wait3A_23 = tpu.memref_slice %arg2[%add3A] : memref<640000xi32, #tpu.memory_space<hbm>> -> memref<20000xi32, #tpu.memory_space<hbm>>
    tpu.wait_dma2 semaphore(%arg15 : memref<!tpu.dma_semaphore, #tpu.memory_space<semaphore_mem>>) src(%dma_wait3A_23 : memref<20000xi32, #tpu.memory_space<hbm>>) dst(%arg4 : memref<20000xi32, #tpu.memory_space<vmem>>)
    %scan3A_24 = arith.constant 0 : i32
    %scan3A_25 = arith.constant 0 : i32
    %scan3A_26 = arith.constant 250 : i32
    %scan3A_27 = arith.addi %scan3A_25, %scan3A_26 : i32
    %scan3A_28 = arith.constant 1 : i32
    scf.for %scan3A_669 = %scan3A_25 to %scan3A_27 step %scan3A_28  : i32 {
      %mul3A_670 = arith.constant 80 : i32
      %mul3A_671 = arith.muli %scan3A_669, %mul3A_670 : i32
      %add3A_672 = arith.constant 0 : i32
      %add3A_673 = arith.addi %mul3A_671, %add3A_672 : i32
      %get3A = arith.index_cast %add3A_673 : i32 to index
      %get3A_674 = tpu.vector_load %arg4[%get3A] {strides = array<i32>} : memref<20000xi32, #tpu.memory_space<vmem>>, vector<16xi32>,
      tpu.vector_store_idx %arg5[%get3A_674], %broadcast_in_dim3A_2 : memref<10240xi32, #tpu.memory_space<vmem>>[vector<16xi32>], vector<16xi32>,
      %mul3A_675 = arith.constant 80 : i32
      %mul3A_676 = arith.muli %scan3A_669, %mul3A_675 : i32
      %add3A_677 = arith.constant 16 : i32
      %add3A_678 = arith.addi %mul3A_676, %add3A_677 : i32
      %get3A_679 = arith.index_cast %add3A_678 : i32 to index
      %get3A_680 = tpu.vector_load %arg4[%get3A_679] {strides = array<i32>} : memref<20000xi32, #tpu.memory_space<vmem>>, vector<16xi32>,
      tpu.vector_store_idx %arg5[%get3A_680], %broadcast_in_dim3A_2 : memref<10240xi32, #tpu.memory_space<vmem>>[vector<16xi32>], vector<16xi32>,
      %mul3A_681 = arith.constant 80 : i32
      %mul3A_682 = arith.muli %scan3A_669, %mul3A_681 : i32
      %add3A_683 = arith.constant 32 : i32
      %add3A_684 = arith.addi %mul3A_682, %add3A_683 : i32
      %get3A_685 = arith.index_cast %add3A_684 : i32 to index
      %get3A_686 = tpu.vector_load %arg4[%get3A_685] {strides = array<i32>} : memref<20000xi32, #tpu.memory_space<vmem>>, vector<16xi32>,
      tpu.vector_store_idx %arg5[%get3A_686], %broadcast_in_dim3A_2 : memref<10240xi32, #tpu.memory_space<vmem>>[vector<16xi32>], vector<16xi32>,
      %mul3A_687 = arith.constant 80 : i32
      %mul3A_688 = arith.muli %scan3A_669, %mul3A_687 : i32
      %add3A_689 = arith.constant 48 : i32
      %add3A_690 = arith.addi %mul3A_688, %add3A_689 : i32
      %get3A_691 = arith.index_cast %add3A_690 : i32 to index
      %get3A_692 = tpu.vector_load %arg4[%get3A_691] {strides = array<i32>} : memref<20000xi32, #tpu.memory_space<vmem>>, vector<16xi32>,
      tpu.vector_store_idx %arg5[%get3A_692], %broadcast_in_dim3A_2 : memref<10240xi32, #tpu.memory_space<vmem>>[vector<16xi32>], vector<16xi32>,
      %mul3A_693 = arith.constant 80 : i32
      %mul3A_694 = arith.muli %scan3A_669, %mul3A_693 : i32
      %add3A_695 = arith.constant 64 : i32
      %add3A_696 = arith.addi %mul3A_694, %add3A_695 : i32
      %get3A_697 = arith.index_cast %add3A_696 : i32 to index
      %get3A_698 = tpu.vector_load %arg4[%get3A_697] {strides = array<i32>} : memref<20000xi32, #tpu.memory_space<vmem>>, vector<16xi32>,
      tpu.vector_store_idx %arg5[%get3A_698], %broadcast_in_dim3A_2 : memref<10240xi32, #tpu.memory_space<vmem>>[vector<16xi32>], vector<16xi32>,
    }
    %scan3A_29 = arith.constant 250 : i32
    "tpu.region"() ({
      %run_scoped3A = tpu.sem_alloc : memref<!tpu.dma_semaphore, #tpu.memory_space<semaphore_mem>>
      %dma_start3A_669 = arith.constant 0 : i32
      %dma_start3A_670 = tpu.memref_slice %arg13[%arg1, %dma_start3A_669] : memref<16x10240xi32, #tpu.memory_space<vmem_shared>> -> memref<1x10240xi32, #tpu.memory_space<vmem_shared>>
      %dma_start3A_671 = tpu.memref_squeeze %dma_start3A_670 : memref<1x10240xi32, #tpu.memory_space<vmem_shared>> -> memref<10240xi32, #tpu.memory_space<vmem_shared>>
      %dma_start3A_672 = arith.constant 0 : i32
      %dma_start3A_673 = tpu.memref_slice %arg13[%arg1, %dma_start3A_672] : memref<16x10240xi32, #tpu.memory_space<vmem_shared>> -> memref<1x10240xi32, #tpu.memory_space<vmem_shared>>
      %dma_start3A_674 = tpu.memref_squeeze %dma_start3A_673 : memref<1x10240xi32, #tpu.memory_space<vmem_shared>> -> memref<10240xi32, #tpu.memory_space<vmem_shared>>
      tpu.enqueue_dma source(%arg5 : memref<10240xi32, #tpu.memory_space<vmem>>) target(%dma_start3A_674 : memref<10240xi32, #tpu.memory_space<vmem_shared>>) target_semaphore(%run_scoped3A : memref<!tpu.dma_semaphore, #tpu.memory_space<semaphore_mem>>)
      %dma_wait3A_675 = arith.constant 0 : i32
      %dma_wait3A_676 = tpu.memref_slice %arg13[%arg1, %dma_wait3A_675] : memref<16x10240xi32, #tpu.memory_space<vmem_shared>> -> memref<1x10240xi32, #tpu.memory_space<vmem_shared>>
      %dma_wait3A_677 = tpu.memref_squeeze %dma_wait3A_676 : memref<1x10240xi32, #tpu.memory_space<vmem_shared>> -> memref<10240xi32, #tpu.memory_space<vmem_shared>>
      %dma_wait3A_678 = arith.constant 0 : i32
      %dma_wait3A_679 = tpu.memref_slice %arg13[%arg1, %dma_wait3A_678] : memref<16x10240xi32, #tpu.memory_space<vmem_shared>> -> memref<1x10240xi32, #tpu.memory_space<vmem_shared>>
      %dma_wait3A_680 = tpu.memref_squeeze %dma_wait3A_679 : memref<1x10240xi32, #tpu.memory_space<vmem_shared>> -> memref<10240xi32, #tpu.memory_space<vmem_shared>>
      tpu.wait_dma2 semaphore(%run_scoped3A : memref<!tpu.dma_semaphore, #tpu.memory_space<semaphore_mem>>) src(%arg5 : memref<10240xi32, #tpu.memory_space<vmem>>) dst(%dma_wait3A_680 : memref<10240xi32, #tpu.memory_space<vmem_shared>>)
      tpu.yield
    }) : () -> ()
    %barrier3A = arith.constant 0 : index
    tpu.barrier barrier_id(%barrier3A)
    %mul3A_30 = arith.constant 640 : i32
    %mul3A_31 = arith.muli %arg1, %mul3A_30 : i32
    "tpu.region"() ({
      %run_scoped3A = tpu.sem_alloc : memref<!tpu.dma_semaphore, #tpu.memory_space<semaphore_mem>>
      %dma_start3A_669 = arith.constant 0 : i32
      %dma_start3A_670 = tpu.memref_slice %arg13[%dma_start3A_669, %mul3A_31] : memref<16x10240xi32, #tpu.memory_space<vmem_shared>> -> memref<16x640xi32, #tpu.memory_space<vmem_shared>>
      %dma_start3A_671 = arith.constant 0 : i32
      %dma_start3A_672 = tpu.memref_slice %arg13[%dma_start3A_671, %mul3A_31] : memref<16x10240xi32, #tpu.memory_space<vmem_shared>> -> memref<16x640xi32, #tpu.memory_space<vmem_shared>>
      tpu.enqueue_dma source(%dma_start3A_672 : memref<16x640xi32, #tpu.memory_space<vmem_shared>>) target(%arg6 : memref<16x640xi32, #tpu.memory_space<vmem>>) target_semaphore(%run_scoped3A : memref<!tpu.dma_semaphore, #tpu.memory_space<semaphore_mem>>)
      %dma_wait3A_673 = arith.constant 0 : i32
      %dma_wait3A_674 = tpu.memref_slice %arg13[%dma_wait3A_673, %mul3A_31] : memref<16x10240xi32, #tpu.memory_space<vmem_shared>> -> memref<16x640xi32, #tpu.memory_space<vmem_shared>>
      %dma_wait3A_675 = arith.constant 0 : i32
      %dma_wait3A_676 = tpu.memref_slice %arg13[%dma_wait3A_675, %mul3A_31] : memref<16x10240xi32, #tpu.memory_space<vmem_shared>> -> memref<16x640xi32, #tpu.memory_space<vmem_shared>>
      tpu.wait_dma2 semaphore(%run_scoped3A : memref<!tpu.dma_semaphore, #tpu.memory_space<semaphore_mem>>) src(%dma_wait3A_676 : memref<16x640xi32, #tpu.memory_space<vmem_shared>>) dst(%arg6 : memref<16x640xi32, #tpu.memory_space<vmem>>)
      tpu.yield
    }) : () -> ()
    %mul3A_32 = arith.constant 640 : i32
    %mul3A_33 = arith.muli %arg1, %mul3A_32 : i32
    %scan3A_34 = arith.constant 0 : i32
    %scan3A_35 = arith.constant 0 : i32
    %scan3A_36 = arith.constant 40 : i32
    %scan3A_37 = arith.addi %scan3A_35, %scan3A_36 : i32
    %scan3A_38 = arith.constant 1 : i32
    %scan3A_39 = scf.for %scan3A_669 = %scan3A_35 to %scan3A_37 step %scan3A_38 iter_args(%scan3A_670 = %scan3A_34) -> (i32)  : i32 {
      %mul3A_671 = arith.constant 16 : i32
      %mul3A_672 = arith.muli %scan3A_669, %mul3A_671 : i32
      %get3A = arith.constant 0 : i32
      %get3A_673 = arith.index_cast %get3A : i32 to index
      %get3A_674 = arith.index_cast %mul3A_672 : i32 to index
      %get3A_675 = tpu.vector_load %arg6[%get3A_673, %get3A_674] {strides = array<i32>} : memref<16x640xi32, #tpu.memory_space<vmem>>, vector<16xi32>,
      %or3A = arith.ori %broadcast_in_dim3A_0, %get3A_675 : vector<16xi32>
      %mul3A_676 = arith.constant 16 : i32
      %mul3A_677 = arith.muli %scan3A_669, %mul3A_676 : i32
      %get3A_678 = arith.constant 1 : i32
      %get3A_679 = arith.index_cast %get3A_678 : i32 to index
      %get3A_680 = arith.index_cast %mul3A_677 : i32 to index
      %get3A_681 = tpu.vector_load %arg6[%get3A_679, %get3A_680] {strides = array<i32>} : memref<16x640xi32, #tpu.memory_space<vmem>>, vector<16xi32>,
      %or3A_682 = arith.ori %or3A, %get3A_681 : vector<16xi32>
      %mul3A_683 = arith.constant 16 : i32
      %mul3A_684 = arith.muli %scan3A_669, %mul3A_683 : i32
      %get3A_685 = arith.constant 2 : i32
      %get3A_686 = arith.index_cast %get3A_685 : i32 to index
      %get3A_687 = arith.index_cast %mul3A_684 : i32 to index
      %get3A_688 = tpu.vector_load %arg6[%get3A_686, %get3A_687] {strides = array<i32>} : memref<16x640xi32, #tpu.memory_space<vmem>>, vector<16xi32>,
      %or3A_689 = arith.ori %or3A_682, %get3A_688 : vector<16xi32>
      %mul3A_690 = arith.constant 16 : i32
      %mul3A_691 = arith.muli %scan3A_669, %mul3A_690 : i32
      %get3A_692 = arith.constant 3 : i32
      %get3A_693 = arith.index_cast %get3A_692 : i32 to index
      %get3A_694 = arith.index_cast %mul3A_691 : i32 to index
      %get3A_695 = tpu.vector_load %arg6[%get3A_693, %get3A_694] {strides = array<i32>} : memref<16x640xi32, #tpu.memory_space<vmem>>, vector<16xi32>,
      %or3A_696 = arith.ori %or3A_689, %get3A_695 : vector<16xi32>
      %mul3A_697 = arith.constant 16 : i32
      %mul3A_698 = arith.muli %scan3A_669, %mul3A_697 : i32
      %get3A_699 = arith.constant 4 : i32
      %get3A_700 = arith.index_cast %get3A_699 : i32 to index
      %get3A_701 = arith.index_cast %mul3A_698 : i32 to index
      %get3A_702 = tpu.vector_load %arg6[%get3A_700, %get3A_701] {strides = array<i32>} : memref<16x640xi32, #tpu.memory_space<vmem>>, vector<16xi32>,
      %or3A_703 = arith.ori %or3A_696, %get3A_702 : vector<16xi32>
      %mul3A_704 = arith.constant 16 : i32
      %mul3A_705 = arith.muli %scan3A_669, %mul3A_704 : i32
      %get3A_706 = arith.constant 5 : i32
      %get3A_707 = arith.index_cast %get3A_706 : i32 to index
      %get3A_708 = arith.index_cast %mul3A_705 : i32 to index
      %get3A_709 = tpu.vector_load %arg6[%get3A_707, %get3A_708] {strides = array<i32>} : memref<16x640xi32, #tpu.memory_space<vmem>>, vector<16xi32>,
      %or3A_710 = arith.ori %or3A_703, %get3A_709 : vector<16xi32>
      %mul3A_711 = arith.constant 16 : i32
      %mul3A_712 = arith.muli %scan3A_669, %mul3A_711 : i32
      %get3A_713 = arith.constant 6 : i32
      %get3A_714 = arith.index_cast %get3A_713 : i32 to index
      %get3A_715 = arith.index_cast %mul3A_712 : i32 to index
      %get3A_716 = tpu.vector_load %arg6[%get3A_714, %get3A_715] {strides = array<i32>} : memref<16x640xi32, #tpu.memory_space<vmem>>, vector<16xi32>,
      %or3A_717 = arith.ori %or3A_710, %get3A_716 : vector<16xi32>
      %mul3A_718 = arith.constant 16 : i32
      %mul3A_719 = arith.muli %scan3A_669, %mul3A_718 : i32
      %get3A_720 = arith.constant 7 : i32
      %get3A_721 = arith.index_cast %get3A_720 : i32 to index
      %get3A_722 = arith.index_cast %mul3A_719 : i32 to index
      %get3A_723 = tpu.vector_load %arg6[%get3A_721, %get3A_722] {strides = array<i32>} : memref<16x640xi32, #tpu.memory_space<vmem>>, vector<16xi32>,
      %or3A_724 = arith.ori %or3A_717, %get3A_723 : vector<16xi32>
      %mul3A_725 = arith.constant 16 : i32
      %mul3A_726 = arith.muli %scan3A_669, %mul3A_725 : i32
      %get3A_727 = arith.constant 8 : i32
      %get3A_728 = arith.index_cast %get3A_727 : i32 to index
      %get3A_729 = arith.index_cast %mul3A_726 : i32 to index
      %get3A_730 = tpu.vector_load %arg6[%get3A_728, %get3A_729] {strides = array<i32>} : memref<16x640xi32, #tpu.memory_space<vmem>>, vector<16xi32>,
      %or3A_731 = arith.ori %or3A_724, %get3A_730 : vector<16xi32>
      %mul3A_732 = arith.constant 16 : i32
      %mul3A_733 = arith.muli %scan3A_669, %mul3A_732 : i32
      %get3A_734 = arith.constant 9 : i32
      %get3A_735 = arith.index_cast %get3A_734 : i32 to index
      %get3A_736 = arith.index_cast %mul3A_733 : i32 to index
      %get3A_737 = tpu.vector_load %arg6[%get3A_735, %get3A_736] {strides = array<i32>} : memref<16x640xi32, #tpu.memory_space<vmem>>, vector<16xi32>,
      %or3A_738 = arith.ori %or3A_731, %get3A_737 : vector<16xi32>
      %mul3A_739 = arith.constant 16 : i32
      %mul3A_740 = arith.muli %scan3A_669, %mul3A_739 : i32
      %get3A_741 = arith.constant 10 : i32
      %get3A_742 = arith.index_cast %get3A_741 : i32 to index
      %get3A_743 = arith.index_cast %mul3A_740 : i32 to index
      %get3A_744 = tpu.vector_load %arg6[%get3A_742, %get3A_743] {strides = array<i32>} : memref<16x640xi32, #tpu.memory_space<vmem>>, vector<16xi32>,
      %or3A_745 = arith.ori %or3A_738, %get3A_744 : vector<16xi32>
      %mul3A_746 = arith.constant 16 : i32
      %mul3A_747 = arith.muli %scan3A_669, %mul3A_746 : i32
      %get3A_748 = arith.constant 11 : i32
      %get3A_749 = arith.index_cast %get3A_748 : i32 to index
      %get3A_750 = arith.index_cast %mul3A_747 : i32 to index
      %get3A_751 = tpu.vector_load %arg6[%get3A_749, %get3A_750] {strides = array<i32>} : memref<16x640xi32, #tpu.memory_space<vmem>>, vector<16xi32>,
      %or3A_752 = arith.ori %or3A_745, %get3A_751 : vector<16xi32>
      %mul3A_753 = arith.constant 16 : i32
      %mul3A_754 = arith.muli %scan3A_669, %mul3A_753 : i32
      %get3A_755 = arith.constant 12 : i32
      %get3A_756 = arith.index_cast %get3A_755 : i32 to index
      %get3A_757 = arith.index_cast %mul3A_754 : i32 to index
      %get3A_758 = tpu.vector_load %arg6[%get3A_756, %get3A_757] {strides = array<i32>} : memref<16x640xi32, #tpu.memory_space<vmem>>, vector<16xi32>,
      %or3A_759 = arith.ori %or3A_752, %get3A_758 : vector<16xi32>
      %mul3A_760 = arith.constant 16 : i32
      %mul3A_761 = arith.muli %scan3A_669, %mul3A_760 : i32
      %get3A_762 = arith.constant 13 : i32
      %get3A_763 = arith.index_cast %get3A_762 : i32 to index
      %get3A_764 = arith.index_cast %mul3A_761 : i32 to index
      %get3A_765 = tpu.vector_load %arg6[%get3A_763, %get3A_764] {strides = array<i32>} : memref<16x640xi32, #tpu.memory_space<vmem>>, vector<16xi32>,
      %or3A_766 = arith.ori %or3A_759, %get3A_765 : vector<16xi32>
      %mul3A_767 = arith.constant 16 : i32
      %mul3A_768 = arith.muli %scan3A_669, %mul3A_767 : i32
      %get3A_769 = arith.constant 14 : i32
      %get3A_770 = arith.index_cast %get3A_769 : i32 to index
      %get3A_771 = arith.index_cast %mul3A_768 : i32 to index
      %get3A_772 = tpu.vector_load %arg6[%get3A_770, %get3A_771] {strides = array<i32>} : memref<16x640xi32, #tpu.memory_space<vmem>>, vector<16xi32>,
      %or3A_773 = arith.ori %or3A_766, %get3A_772 : vector<16xi32>
      %mul3A_774 = arith.constant 16 : i32
      %mul3A_775 = arith.muli %scan3A_669, %mul3A_774 : i32
      %get3A_776 = arith.constant 15 : i32
      %get3A_777 = arith.index_cast %get3A_776 : i32 to index
      %get3A_778 = arith.index_cast %mul3A_775 : i32 to index
      %get3A_779 = tpu.vector_load %arg6[%get3A_777, %get3A_778] {strides = array<i32>} : memref<16x640xi32, #tpu.memory_space<vmem>>, vector<16xi32>,
      %or3A_780 = arith.ori %or3A_773, %get3A_779 : vector<16xi32>
      %gt3A = arith.constant 0 : i32
      %gt3A_781 = vector.broadcast %gt3A : i32 to vector<16xi32>
      %gt3A_782 = arith.cmpi sgt, %or3A_780, %gt3A_781 : vector<16xi32>
      %mul3A_783 = arith.constant 16 : i32
      %mul3A_784 = arith.muli %scan3A_669, %mul3A_783 : i32
      %add3A_785 = arith.addi %mul3A_33, %mul3A_784 : i32
      %add3A_786 = vector.broadcast %add3A_785 : i32 to vector<16xi32>
      %add3A_787 = arith.addi %add3A_786, %iota3A : vector<16xi32>
      %lt3A_788 = arith.constant 10000 : i32
      %lt3A_789 = vector.broadcast %lt3A_788 : i32 to vector<16xi32>
      %lt3A_790 = arith.cmpi slt, %add3A_787, %lt3A_789 : vector<16xi32>
      %and3A = arith.andi %gt3A_782, %lt3A_790 : vector<16xi1>
      %convert_element_type3A = arith.extui %and3A : vector<16xi1> to vector<16xi32>
      %mul3A_791 = arith.constant 16 : i32
      %mul3A_792 = arith.muli %scan3A_669, %mul3A_791 : i32
      %swap3A_793 = arith.index_cast %mul3A_792 : i32 to index
      %swap3A_794 = tpu.vector_load %arg7[%swap3A_793] {strides = array<i32>} : memref<640xi32, #tpu.memory_space<vmem>>, vector<16xi32>,
      tpu.vector_store %arg7[%swap3A_793], %convert_element_type3A {strides = array<i32>} : memref<640xi32, #tpu.memory_space<vmem>>, vector<16xi32>,
      %reduce_sum3A_795 = arith.constant true
      %reduce_sum3A_796 = vector.broadcast %reduce_sum3A_795 : i1 to vector<16xi1>
      %reduce_sum3A_797 = tpu.scan <sum>, %convert_element_type3A masked %reduce_sum3A_796 : vector<16xi32>, vector<16xi1> -> vector<16xi32>
      %reduce_sum3A_798 = vector.extract %reduce_sum3A_797[15] : i32 from vector<16xi32>
      %add3A_799 = arith.addi %scan3A_670, %reduce_sum3A_798 : i32
      scf.yield %add3A_799 : i32
    }
    %scan3A_40 = arith.constant 40 : i32
    %broadcast_in_dim3A_41 = vector.broadcast %scan3A_39 : i32 to vector<16xi32>
    %swap3A = arith.constant 0 : index
    %swap3A_42 = tpu.vector_load %arg11[%swap3A] {strides = array<i32>} : memref<16xi32, #tpu.memory_space<vmem>>, vector<16xi32>,
    tpu.vector_store %arg11[%swap3A], %broadcast_in_dim3A_41 {strides = array<i32>} : memref<16xi32, #tpu.memory_space<vmem>>, vector<16xi32>,
    %mul3A_43 = arith.constant 16 : i32
    %mul3A_44 = arith.muli %arg1, %mul3A_43 : i32
    "tpu.region"() ({
      %run_scoped3A = tpu.sem_alloc : memref<!tpu.dma_semaphore, #tpu.memory_space<semaphore_mem>>
      %dma_start3A_669 = tpu.memref_slice %arg14[%mul3A_44] : memref<256xi32, #tpu.memory_space<vmem_shared>> -> memref<16xi32, #tpu.memory_space<vmem_shared>>
      %dma_start3A_670 = tpu.memref_slice %arg14[%mul3A_44] : memref<256xi32, #tpu.memory_space<vmem_shared>> -> memref<16xi32, #tpu.memory_space<vmem_shared>>
      tpu.enqueue_dma source(%arg11 : memref<16xi32, #tpu.memory_space<vmem>>) target(%dma_start3A_670 : memref<16xi32, #tpu.memory_space<vmem_shared>>) target_semaphore(%run_scoped3A : memref<!tpu.dma_semaphore, #tpu.memory_space<semaphore_mem>>)
      %dma_wait3A_671 = tpu.memref_slice %arg14[%mul3A_44] : memref<256xi32, #tpu.memory_space<vmem_shared>> -> memref<16xi32, #tpu.memory_space<vmem_shared>>
      %dma_wait3A_672 = tpu.memref_slice %arg14[%mul3A_44] : memref<256xi32, #tpu.memory_space<vmem_shared>> -> memref<16xi32, #tpu.memory_space<vmem_shared>>
      tpu.wait_dma2 semaphore(%run_scoped3A : memref<!tpu.dma_semaphore, #tpu.memory_space<semaphore_mem>>) src(%arg11 : memref<16xi32, #tpu.memory_space<vmem>>) dst(%dma_wait3A_672 : memref<16xi32, #tpu.memory_space<vmem_shared>>)
      tpu.yield
    }) : () -> ()
    %barrier3A_45 = arith.constant 0 : index
    tpu.barrier barrier_id(%barrier3A_45)
    "tpu.region"() ({
      %run_scoped3A = tpu.sem_alloc : memref<!tpu.dma_semaphore, #tpu.memory_space<semaphore_mem>>
      tpu.enqueue_dma source(%arg14 : memref<256xi32, #tpu.memory_space<vmem_shared>>) target(%arg12 : memref<256xi32, #tpu.memory_space<vmem>>) target_semaphore(%run_scoped3A : memref<!tpu.dma_semaphore, #tpu.memory_space<semaphore_mem>>)
      tpu.wait_dma2 semaphore(%run_scoped3A : memref<!tpu.dma_semaphore, #tpu.memory_space<semaphore_mem>>) src(%arg14 : memref<256xi32, #tpu.memory_space<vmem_shared>>) dst(%arg12 : memref<256xi32, #tpu.memory_space<vmem>>)
      tpu.yield
    }) : () -> ()
    %mul3A_46 = arith.constant 16 : i32
    %mul3A_47 = vector.broadcast %mul3A_46 : i32 to vector<16xi32>
    %mul3A_48 = arith.muli %iota3A, %mul3A_47 : vector<16xi32>
    %gather3A = tpu.vector_load_idx %arg12[%mul3A_48] : memref<256xi32, #tpu.memory_space<vmem>>[vector<16xi32>], vector<16xi32>,
    %lt3A = vector.broadcast %arg1 : i32 to vector<16xi32>
    %lt3A_49 = arith.cmpi slt, %iota3A, %lt3A : vector<16xi32>
    %jit3A = arith.constant 0 : i32
    %broadcast_in_dim3A_50 = vector.broadcast %jit3A : i32 to vector<16xi32>
    %select_n3A = arith.select %lt3A_49, %gather3A, %broadcast_in_dim3A_50 : vector<16xi1>, vector<16xi32>
    %reduce_sum3A = arith.constant true
    %reduce_sum3A_51 = vector.broadcast %reduce_sum3A : i1 to vector<16xi1>
    %reduce_sum3A_52 = tpu.scan <sum>, %select_n3A masked %reduce_sum3A_51 : vector<16xi32>, vector<16xi1> -> vector<16xi32>
    %reduce_sum3A_53 = vector.extract %reduce_sum3A_52[15] : i32 from vector<16xi32>
    %mul3A_54 = arith.constant 10240 : i32
    %mul3A_55 = arith.muli %arg0, %mul3A_54 : i32
    %add3A_56 = arith.addi %mul3A_55, %reduce_sum3A_53 : i32
    %mul3A_57 = arith.constant 10240 : i32
    %mul3A_58 = arith.muli %arg0, %mul3A_57 : i32
    %add3A_59 = arith.constant 10000 : i32
    %add3A_60 = arith.addi %mul3A_58, %add3A_59 : i32
    %add3A_61 = arith.addi %add3A_60, %arg1 : i32
    %add3A_62 = arith.constant 0 : i32
    %add3A_63 = vector.broadcast %add3A_62 : i32 to vector<16xi32>
    %add3A_64 = arith.addi %add3A_63, %iota3A : vector<16xi32>
    %lt3A_65 = vector.broadcast %scan3A_39 : i32 to vector<16xi32>
    %lt3A_66 = arith.cmpi slt, %add3A_64, %lt3A_65 : vector<16xi32>
    %add3A_67 = vector.broadcast %add3A_56 : i32 to vector<16xi32>
    %add3A_68 = arith.addi %add3A_67, %add3A_64 : vector<16xi32>
    %broadcast_in_dim3A_69 = vector.broadcast %add3A_61 : i32 to vector<16xi32>
    %select_n3A_70 = arith.select %lt3A_66, %add3A_68, %broadcast_in_dim3A_69 : vector<16xi1>, vector<16xi32>
    %swap3A_71 = arith.constant 0 : i32
    %swap3A_72 = arith.index_cast %swap3A_71 : i32 to index
    %swap3A_73 = arith.constant 0 : index
    %swap3A_74 = tpu.vector_load %arg9[%swap3A_72, %swap3A_73] {strides = array<i32>} : memref<5x128xi32, #tpu.memory_space<vmem>>, vector<16xi32>,
    tpu.vector_store %arg9[%swap3A_72, %swap3A_73], %select_n3A_70 {strides = array<i32>} : memref<5x128xi32, #tpu.memory_space<vmem>>, vector<16xi32>,
    %add3A_75 = arith.constant 16 : i32
    %add3A_76 = vector.broadcast %add3A_75 : i32 to vector<16xi32>
    %add3A_77 = arith.addi %add3A_76, %iota3A : vector<16xi32>
    %lt3A_78 = vector.broadcast %scan3A_39 : i32 to vector<16xi32>
    %lt3A_79 = arith.cmpi slt, %add3A_77, %lt3A_78 : vector<16xi32>
    %add3A_80 = vector.broadcast %add3A_56 : i32 to vector<16xi32>
    %add3A_81 = arith.addi %add3A_80, %add3A_77 : vector<16xi32>
    %broadcast_in_dim3A_82 = vector.broadcast %add3A_61 : i32 to vector<16xi32>
    %select_n3A_83 = arith.select %lt3A_79, %add3A_81, %broadcast_in_dim3A_82 : vector<16xi1>, vector<16xi32>
    %swap3A_84 = arith.constant 0 : i32
    %swap3A_85 = arith.index_cast %swap3A_84 : i32 to index
    %swap3A_86 = arith.constant 16 : index
    %swap3A_87 = tpu.vector_load %arg9[%swap3A_85, %swap3A_86] {strides = array<i32>} : memref<5x128xi32, #tpu.memory_space<vmem>>, vector<16xi32>,
    tpu.vector_store %arg9[%swap3A_85, %swap3A_86], %select_n3A_83 {strides = array<i32>} : memref<5x128xi32, #tpu.memory_space<vmem>>, vector<16xi32>,
    %add3A_88 = arith.constant 32 : i32
    %add3A_89 = vector.broadcast %add3A_88 : i32 to vector<16xi32>
    %add3A_90 = arith.addi %add3A_89, %iota3A : vector<16xi32>
    %lt3A_91 = vector.broadcast %scan3A_39 : i32 to vector<16xi32>
    %lt3A_92 = arith.cmpi slt, %add3A_90, %lt3A_91 : vector<16xi32>
    %add3A_93 = vector.broadcast %add3A_56 : i32 to vector<16xi32>
    %add3A_94 = arith.addi %add3A_93, %add3A_90 : vector<16xi32>
    %broadcast_in_dim3A_95 = vector.broadcast %add3A_61 : i32 to vector<16xi32>
    %select_n3A_96 = arith.select %lt3A_92, %add3A_94, %broadcast_in_dim3A_95 : vector<16xi1>, vector<16xi32>
    %swap3A_97 = arith.constant 0 : i32
    %swap3A_98 = arith.index_cast %swap3A_97 : i32 to index
    %swap3A_99 = arith.constant 32 : index
    %swap3A_100 = tpu.vector_load %arg9[%swap3A_98, %swap3A_99] {strides = array<i32>} : memref<5x128xi32, #tpu.memory_space<vmem>>, vector<16xi32>,
    tpu.vector_store %arg9[%swap3A_98, %swap3A_99], %select_n3A_96 {strides = array<i32>} : memref<5x128xi32, #tpu.memory_space<vmem>>, vector<16xi32>,
    %add3A_101 = arith.constant 48 : i32
    %add3A_102 = vector.broadcast %add3A_101 : i32 to vector<16xi32>
    %add3A_103 = arith.addi %add3A_102, %iota3A : vector<16xi32>
    %lt3A_104 = vector.broadcast %scan3A_39 : i32 to vector<16xi32>
    %lt3A_105 = arith.cmpi slt, %add3A_103, %lt3A_104 : vector<16xi32>
    %add3A_106 = vector.broadcast %add3A_56 : i32 to vector<16xi32>
    %add3A_107 = arith.addi %add3A_106, %add3A_103 : vector<16xi32>
    %broadcast_in_dim3A_108 = vector.broadcast %add3A_61 : i32 to vector<16xi32>
    %select_n3A_109 = arith.select %lt3A_105, %add3A_107, %broadcast_in_dim3A_108 : vector<16xi1>, vector<16xi32>
    %swap3A_110 = arith.constant 0 : i32
    %swap3A_111 = arith.index_cast %swap3A_110 : i32 to index
    %swap3A_112 = arith.constant 48 : index
    %swap3A_113 = tpu.vector_load %arg9[%swap3A_111, %swap3A_112] {strides = array<i32>} : memref<5x128xi32, #tpu.memory_space<vmem>>, vector<16xi32>,
    tpu.vector_store %arg9[%swap3A_111, %swap3A_112], %select_n3A_109 {strides = array<i32>} : memref<5x128xi32, #tpu.memory_space<vmem>>, vector<16xi32>,
    %add3A_114 = arith.constant 64 : i32
    %add3A_115 = vector.broadcast %add3A_114 : i32 to vector<16xi32>
    %add3A_116 = arith.addi %add3A_115, %iota3A : vector<16xi32>
    %lt3A_117 = vector.broadcast %scan3A_39 : i32 to vector<16xi32>
    %lt3A_118 = arith.cmpi slt, %add3A_116, %lt3A_117 : vector<16xi32>
    %add3A_119 = vector.broadcast %add3A_56 : i32 to vector<16xi32>
    %add3A_120 = arith.addi %add3A_119, %add3A_116 : vector<16xi32>
    %broadcast_in_dim3A_121 = vector.broadcast %add3A_61 : i32 to vector<16xi32>
    %select_n3A_122 = arith.select %lt3A_118, %add3A_120, %broadcast_in_dim3A_121 : vector<16xi1>, vector<16xi32>
    %swap3A_123 = arith.constant 0 : i32
    %swap3A_124 = arith.index_cast %swap3A_123 : i32 to index
    %swap3A_125 = arith.constant 64 : index
    %swap3A_126 = tpu.vector_load %arg9[%swap3A_124, %swap3A_125] {strides = array<i32>} : memref<5x128xi32, #tpu.memory_space<vmem>>, vector<16xi32>,
    tpu.vector_store %arg9[%swap3A_124, %swap3A_125], %select_n3A_122 {strides = array<i32>} : memref<5x128xi32, #tpu.memory_space<vmem>>, vector<16xi32>,
    %add3A_127 = arith.constant 80 : i32
    %add3A_128 = vector.broadcast %add3A_127 : i32 to vector<16xi32>
    %add3A_129 = arith.addi %add3A_128, %iota3A : vector<16xi32>
    %lt3A_130 = vector.broadcast %scan3A_39 : i32 to vector<16xi32>
    %lt3A_131 = arith.cmpi slt, %add3A_129, %lt3A_130 : vector<16xi32>
    %add3A_132 = vector.broadcast %add3A_56 : i32 to vector<16xi32>
    %add3A_133 = arith.addi %add3A_132, %add3A_129 : vector<16xi32>
    %broadcast_in_dim3A_134 = vector.broadcast %add3A_61 : i32 to vector<16xi32>
    %select_n3A_135 = arith.select %lt3A_131, %add3A_133, %broadcast_in_dim3A_134 : vector<16xi1>, vector<16xi32>
    %swap3A_136 = arith.constant 0 : i32
    %swap3A_137 = arith.index_cast %swap3A_136 : i32 to index
    %swap3A_138 = arith.constant 80 : index
    %swap3A_139 = tpu.vector_load %arg9[%swap3A_137, %swap3A_138] {strides = array<i32>} : memref<5x128xi32, #tpu.memory_space<vmem>>, vector<16xi32>,
    tpu.vector_store %arg9[%swap3A_137, %swap3A_138], %select_n3A_135 {strides = array<i32>} : memref<5x128xi32, #tpu.memory_space<vmem>>, vector<16xi32>,
    %add3A_140 = arith.constant 96 : i32
    %add3A_141 = vector.broadcast %add3A_140 : i32 to vector<16xi32>
    %add3A_142 = arith.addi %add3A_141, %iota3A : vector<16xi32>
    %lt3A_143 = vector.broadcast %scan3A_39 : i32 to vector<16xi32>
    %lt3A_144 = arith.cmpi slt, %add3A_142, %lt3A_143 : vector<16xi32>
    %add3A_145 = vector.broadcast %add3A_56 : i32 to vector<16xi32>
    %add3A_146 = arith.addi %add3A_145, %add3A_142 : vector<16xi32>
    %broadcast_in_dim3A_147 = vector.broadcast %add3A_61 : i32 to vector<16xi32>
    %select_n3A_148 = arith.select %lt3A_144, %add3A_146, %broadcast_in_dim3A_147 : vector<16xi1>, vector<16xi32>
    %swap3A_149 = arith.constant 0 : i32
    %swap3A_150 = arith.index_cast %swap3A_149 : i32 to index
    %swap3A_151 = arith.constant 96 : index
    %swap3A_152 = tpu.vector_load %arg9[%swap3A_150, %swap3A_151] {strides = array<i32>} : memref<5x128xi32, #tpu.memory_space<vmem>>, vector<16xi32>,
    tpu.vector_store %arg9[%swap3A_150, %swap3A_151], %select_n3A_148 {strides = array<i32>} : memref<5x128xi32, #tpu.memory_space<vmem>>, vector<16xi32>,
    %add3A_153 = arith.constant 112 : i32
    %add3A_154 = vector.broadcast %add3A_153 : i32 to vector<16xi32>
    %add3A_155 = arith.addi %add3A_154, %iota3A : vector<16xi32>
    %lt3A_156 = vector.broadcast %scan3A_39 : i32 to vector<16xi32>
    %lt3A_157 = arith.cmpi slt, %add3A_155, %lt3A_156 : vector<16xi32>
    %add3A_158 = vector.broadcast %add3A_56 : i32 to vector<16xi32>
    %add3A_159 = arith.addi %add3A_158, %add3A_155 : vector<16xi32>
    %broadcast_in_dim3A_160 = vector.broadcast %add3A_61 : i32 to vector<16xi32>
    %select_n3A_161 = arith.select %lt3A_157, %add3A_159, %broadcast_in_dim3A_160 : vector<16xi1>, vector<16xi32>
    %swap3A_162 = arith.constant 0 : i32
    %swap3A_163 = arith.index_cast %swap3A_162 : i32 to index
    %swap3A_164 = arith.constant 112 : index
    %swap3A_165 = tpu.vector_load %arg9[%swap3A_163, %swap3A_164] {strides = array<i32>} : memref<5x128xi32, #tpu.memory_space<vmem>>, vector<16xi32>,
    tpu.vector_store %arg9[%swap3A_163, %swap3A_164], %select_n3A_161 {strides = array<i32>} : memref<5x128xi32, #tpu.memory_space<vmem>>, vector<16xi32>,
    %add3A_166 = arith.constant 128 : i32
    %add3A_167 = vector.broadcast %add3A_166 : i32 to vector<16xi32>
    %add3A_168 = arith.addi %add3A_167, %iota3A : vector<16xi32>
    %lt3A_169 = vector.broadcast %scan3A_39 : i32 to vector<16xi32>
    %lt3A_170 = arith.cmpi slt, %add3A_168, %lt3A_169 : vector<16xi32>
    %add3A_171 = vector.broadcast %add3A_56 : i32 to vector<16xi32>
    %add3A_172 = arith.addi %add3A_171, %add3A_168 : vector<16xi32>
    %broadcast_in_dim3A_173 = vector.broadcast %add3A_61 : i32 to vector<16xi32>
    %select_n3A_174 = arith.select %lt3A_170, %add3A_172, %broadcast_in_dim3A_173 : vector<16xi1>, vector<16xi32>
    %swap3A_175 = arith.constant 1 : i32
    %swap3A_176 = arith.index_cast %swap3A_175 : i32 to index
    %swap3A_177 = arith.constant 0 : index
    %swap3A_178 = tpu.vector_load %arg9[%swap3A_176, %swap3A_177] {strides = array<i32>} : memref<5x128xi32, #tpu.memory_space<vmem>>, vector<16xi32>,
    tpu.vector_store %arg9[%swap3A_176, %swap3A_177], %select_n3A_174 {strides = array<i32>} : memref<5x128xi32, #tpu.memory_space<vmem>>, vector<16xi32>,
    %add3A_179 = arith.constant 144 : i32
    %add3A_180 = vector.broadcast %add3A_179 : i32 to vector<16xi32>
    %add3A_181 = arith.addi %add3A_180, %iota3A : vector<16xi32>
    %lt3A_182 = vector.broadcast %scan3A_39 : i32 to vector<16xi32>
    %lt3A_183 = arith.cmpi slt, %add3A_181, %lt3A_182 : vector<16xi32>
    %add3A_184 = vector.broadcast %add3A_56 : i32 to vector<16xi32>
    %add3A_185 = arith.addi %add3A_184, %add3A_181 : vector<16xi32>
    %broadcast_in_dim3A_186 = vector.broadcast %add3A_61 : i32 to vector<16xi32>
    %select_n3A_187 = arith.select %lt3A_183, %add3A_185, %broadcast_in_dim3A_186 : vector<16xi1>, vector<16xi32>
    %swap3A_188 = arith.constant 1 : i32
    %swap3A_189 = arith.index_cast %swap3A_188 : i32 to index
    %swap3A_190 = arith.constant 16 : index
    %swap3A_191 = tpu.vector_load %arg9[%swap3A_189, %swap3A_190] {strides = array<i32>} : memref<5x128xi32, #tpu.memory_space<vmem>>, vector<16xi32>,
    tpu.vector_store %arg9[%swap3A_189, %swap3A_190], %select_n3A_187 {strides = array<i32>} : memref<5x128xi32, #tpu.memory_space<vmem>>, vector<16xi32>,
    %add3A_192 = arith.constant 160 : i32
    %add3A_193 = vector.broadcast %add3A_192 : i32 to vector<16xi32>
    %add3A_194 = arith.addi %add3A_193, %iota3A : vector<16xi32>
    %lt3A_195 = vector.broadcast %scan3A_39 : i32 to vector<16xi32>
    %lt3A_196 = arith.cmpi slt, %add3A_194, %lt3A_195 : vector<16xi32>
    %add3A_197 = vector.broadcast %add3A_56 : i32 to vector<16xi32>
    %add3A_198 = arith.addi %add3A_197, %add3A_194 : vector<16xi32>
    %broadcast_in_dim3A_199 = vector.broadcast %add3A_61 : i32 to vector<16xi32>
    %select_n3A_200 = arith.select %lt3A_196, %add3A_198, %broadcast_in_dim3A_199 : vector<16xi1>, vector<16xi32>
    %swap3A_201 = arith.constant 1 : i32
    %swap3A_202 = arith.index_cast %swap3A_201 : i32 to index
    %swap3A_203 = arith.constant 32 : index
    %swap3A_204 = tpu.vector_load %arg9[%swap3A_202, %swap3A_203] {strides = array<i32>} : memref<5x128xi32, #tpu.memory_space<vmem>>, vector<16xi32>,
    tpu.vector_store %arg9[%swap3A_202, %swap3A_203], %select_n3A_200 {strides = array<i32>} : memref<5x128xi32, #tpu.memory_space<vmem>>, vector<16xi32>,
    %add3A_205 = arith.constant 176 : i32
    %add3A_206 = vector.broadcast %add3A_205 : i32 to vector<16xi32>
    %add3A_207 = arith.addi %add3A_206, %iota3A : vector<16xi32>
    %lt3A_208 = vector.broadcast %scan3A_39 : i32 to vector<16xi32>
    %lt3A_209 = arith.cmpi slt, %add3A_207, %lt3A_208 : vector<16xi32>
    %add3A_210 = vector.broadcast %add3A_56 : i32 to vector<16xi32>
    %add3A_211 = arith.addi %add3A_210, %add3A_207 : vector<16xi32>
    %broadcast_in_dim3A_212 = vector.broadcast %add3A_61 : i32 to vector<16xi32>
    %select_n3A_213 = arith.select %lt3A_209, %add3A_211, %broadcast_in_dim3A_212 : vector<16xi1>, vector<16xi32>
    %swap3A_214 = arith.constant 1 : i32
    %swap3A_215 = arith.index_cast %swap3A_214 : i32 to index
    %swap3A_216 = arith.constant 48 : index
    %swap3A_217 = tpu.vector_load %arg9[%swap3A_215, %swap3A_216] {strides = array<i32>} : memref<5x128xi32, #tpu.memory_space<vmem>>, vector<16xi32>,
    tpu.vector_store %arg9[%swap3A_215, %swap3A_216], %select_n3A_213 {strides = array<i32>} : memref<5x128xi32, #tpu.memory_space<vmem>>, vector<16xi32>,
    %add3A_218 = arith.constant 192 : i32
    %add3A_219 = vector.broadcast %add3A_218 : i32 to vector<16xi32>
    %add3A_220 = arith.addi %add3A_219, %iota3A : vector<16xi32>
    %lt3A_221 = vector.broadcast %scan3A_39 : i32 to vector<16xi32>
    %lt3A_222 = arith.cmpi slt, %add3A_220, %lt3A_221 : vector<16xi32>
    %add3A_223 = vector.broadcast %add3A_56 : i32 to vector<16xi32>
    %add3A_224 = arith.addi %add3A_223, %add3A_220 : vector<16xi32>
    %broadcast_in_dim3A_225 = vector.broadcast %add3A_61 : i32 to vector<16xi32>
    %select_n3A_226 = arith.select %lt3A_222, %add3A_224, %broadcast_in_dim3A_225 : vector<16xi1>, vector<16xi32>
    %swap3A_227 = arith.constant 1 : i32
    %swap3A_228 = arith.index_cast %swap3A_227 : i32 to index
    %swap3A_229 = arith.constant 64 : index
    %swap3A_230 = tpu.vector_load %arg9[%swap3A_228, %swap3A_229] {strides = array<i32>} : memref<5x128xi32, #tpu.memory_space<vmem>>, vector<16xi32>,
    tpu.vector_store %arg9[%swap3A_228, %swap3A_229], %select_n3A_226 {strides = array<i32>} : memref<5x128xi32, #tpu.memory_space<vmem>>, vector<16xi32>,
    %add3A_231 = arith.constant 208 : i32
    %add3A_232 = vector.broadcast %add3A_231 : i32 to vector<16xi32>
    %add3A_233 = arith.addi %add3A_232, %iota3A : vector<16xi32>
    %lt3A_234 = vector.broadcast %scan3A_39 : i32 to vector<16xi32>
    %lt3A_235 = arith.cmpi slt, %add3A_233, %lt3A_234 : vector<16xi32>
    %add3A_236 = vector.broadcast %add3A_56 : i32 to vector<16xi32>
    %add3A_237 = arith.addi %add3A_236, %add3A_233 : vector<16xi32>
    %broadcast_in_dim3A_238 = vector.broadcast %add3A_61 : i32 to vector<16xi32>
    %select_n3A_239 = arith.select %lt3A_235, %add3A_237, %broadcast_in_dim3A_238 : vector<16xi1>, vector<16xi32>
    %swap3A_240 = arith.constant 1 : i32
    %swap3A_241 = arith.index_cast %swap3A_240 : i32 to index
    %swap3A_242 = arith.constant 80 : index
    %swap3A_243 = tpu.vector_load %arg9[%swap3A_241, %swap3A_242] {strides = array<i32>} : memref<5x128xi32, #tpu.memory_space<vmem>>, vector<16xi32>,
    tpu.vector_store %arg9[%swap3A_241, %swap3A_242], %select_n3A_239 {strides = array<i32>} : memref<5x128xi32, #tpu.memory_space<vmem>>, vector<16xi32>,
    %add3A_244 = arith.constant 224 : i32
    %add3A_245 = vector.broadcast %add3A_244 : i32 to vector<16xi32>
    %add3A_246 = arith.addi %add3A_245, %iota3A : vector<16xi32>
    %lt3A_247 = vector.broadcast %scan3A_39 : i32 to vector<16xi32>
    %lt3A_248 = arith.cmpi slt, %add3A_246, %lt3A_247 : vector<16xi32>
    %add3A_249 = vector.broadcast %add3A_56 : i32 to vector<16xi32>
    %add3A_250 = arith.addi %add3A_249, %add3A_246 : vector<16xi32>
    %broadcast_in_dim3A_251 = vector.broadcast %add3A_61 : i32 to vector<16xi32>
    %select_n3A_252 = arith.select %lt3A_248, %add3A_250, %broadcast_in_dim3A_251 : vector<16xi1>, vector<16xi32>
    %swap3A_253 = arith.constant 1 : i32
    %swap3A_254 = arith.index_cast %swap3A_253 : i32 to index
    %swap3A_255 = arith.constant 96 : index
    %swap3A_256 = tpu.vector_load %arg9[%swap3A_254, %swap3A_255] {strides = array<i32>} : memref<5x128xi32, #tpu.memory_space<vmem>>, vector<16xi32>,
    tpu.vector_store %arg9[%swap3A_254, %swap3A_255], %select_n3A_252 {strides = array<i32>} : memref<5x128xi32, #tpu.memory_space<vmem>>, vector<16xi32>,
    %add3A_257 = arith.constant 240 : i32
    %add3A_258 = vector.broadcast %add3A_257 : i32 to vector<16xi32>
    %add3A_259 = arith.addi %add3A_258, %iota3A : vector<16xi32>
    %lt3A_260 = vector.broadcast %scan3A_39 : i32 to vector<16xi32>
    %lt3A_261 = arith.cmpi slt, %add3A_259, %lt3A_260 : vector<16xi32>
    %add3A_262 = vector.broadcast %add3A_56 : i32 to vector<16xi32>
    %add3A_263 = arith.addi %add3A_262, %add3A_259 : vector<16xi32>
    %broadcast_in_dim3A_264 = vector.broadcast %add3A_61 : i32 to vector<16xi32>
    %select_n3A_265 = arith.select %lt3A_261, %add3A_263, %broadcast_in_dim3A_264 : vector<16xi1>, vector<16xi32>
    %swap3A_266 = arith.constant 1 : i32
    %swap3A_267 = arith.index_cast %swap3A_266 : i32 to index
    %swap3A_268 = arith.constant 112 : index
    %swap3A_269 = tpu.vector_load %arg9[%swap3A_267, %swap3A_268] {strides = array<i32>} : memref<5x128xi32, #tpu.memory_space<vmem>>, vector<16xi32>,
    tpu.vector_store %arg9[%swap3A_267, %swap3A_268], %select_n3A_265 {strides = array<i32>} : memref<5x128xi32, #tpu.memory_space<vmem>>, vector<16xi32>,
    %add3A_270 = arith.constant 256 : i32
    %add3A_271 = vector.broadcast %add3A_270 : i32 to vector<16xi32>
    %add3A_272 = arith.addi %add3A_271, %iota3A : vector<16xi32>
    %lt3A_273 = vector.broadcast %scan3A_39 : i32 to vector<16xi32>
    %lt3A_274 = arith.cmpi slt, %add3A_272, %lt3A_273 : vector<16xi32>
    %add3A_275 = vector.broadcast %add3A_56 : i32 to vector<16xi32>
    %add3A_276 = arith.addi %add3A_275, %add3A_272 : vector<16xi32>
    %broadcast_in_dim3A_277 = vector.broadcast %add3A_61 : i32 to vector<16xi32>
    %select_n3A_278 = arith.select %lt3A_274, %add3A_276, %broadcast_in_dim3A_277 : vector<16xi1>, vector<16xi32>
    %swap3A_279 = arith.constant 2 : i32
    %swap3A_280 = arith.index_cast %swap3A_279 : i32 to index
    %swap3A_281 = arith.constant 0 : index
    %swap3A_282 = tpu.vector_load %arg9[%swap3A_280, %swap3A_281] {strides = array<i32>} : memref<5x128xi32, #tpu.memory_space<vmem>>, vector<16xi32>,
    tpu.vector_store %arg9[%swap3A_280, %swap3A_281], %select_n3A_278 {strides = array<i32>} : memref<5x128xi32, #tpu.memory_space<vmem>>, vector<16xi32>,
    %add3A_283 = arith.constant 272 : i32
    %add3A_284 = vector.broadcast %add3A_283 : i32 to vector<16xi32>
    %add3A_285 = arith.addi %add3A_284, %iota3A : vector<16xi32>
    %lt3A_286 = vector.broadcast %scan3A_39 : i32 to vector<16xi32>
    %lt3A_287 = arith.cmpi slt, %add3A_285, %lt3A_286 : vector<16xi32>
    %add3A_288 = vector.broadcast %add3A_56 : i32 to vector<16xi32>
    %add3A_289 = arith.addi %add3A_288, %add3A_285 : vector<16xi32>
    %broadcast_in_dim3A_290 = vector.broadcast %add3A_61 : i32 to vector<16xi32>
    %select_n3A_291 = arith.select %lt3A_287, %add3A_289, %broadcast_in_dim3A_290 : vector<16xi1>, vector<16xi32>
    %swap3A_292 = arith.constant 2 : i32
    %swap3A_293 = arith.index_cast %swap3A_292 : i32 to index
    %swap3A_294 = arith.constant 16 : index
    %swap3A_295 = tpu.vector_load %arg9[%swap3A_293, %swap3A_294] {strides = array<i32>} : memref<5x128xi32, #tpu.memory_space<vmem>>, vector<16xi32>,
    tpu.vector_store %arg9[%swap3A_293, %swap3A_294], %select_n3A_291 {strides = array<i32>} : memref<5x128xi32, #tpu.memory_space<vmem>>, vector<16xi32>,
    %add3A_296 = arith.constant 288 : i32
    %add3A_297 = vector.broadcast %add3A_296 : i32 to vector<16xi32>
    %add3A_298 = arith.addi %add3A_297, %iota3A : vector<16xi32>
    %lt3A_299 = vector.broadcast %scan3A_39 : i32 to vector<16xi32>
    %lt3A_300 = arith.cmpi slt, %add3A_298, %lt3A_299 : vector<16xi32>
    %add3A_301 = vector.broadcast %add3A_56 : i32 to vector<16xi32>
    %add3A_302 = arith.addi %add3A_301, %add3A_298 : vector<16xi32>
    %broadcast_in_dim3A_303 = vector.broadcast %add3A_61 : i32 to vector<16xi32>
    %select_n3A_304 = arith.select %lt3A_300, %add3A_302, %broadcast_in_dim3A_303 : vector<16xi1>, vector<16xi32>
    %swap3A_305 = arith.constant 2 : i32
    %swap3A_306 = arith.index_cast %swap3A_305 : i32 to index
    %swap3A_307 = arith.constant 32 : index
    %swap3A_308 = tpu.vector_load %arg9[%swap3A_306, %swap3A_307] {strides = array<i32>} : memref<5x128xi32, #tpu.memory_space<vmem>>, vector<16xi32>,
    tpu.vector_store %arg9[%swap3A_306, %swap3A_307], %select_n3A_304 {strides = array<i32>} : memref<5x128xi32, #tpu.memory_space<vmem>>, vector<16xi32>,
    %add3A_309 = arith.constant 304 : i32
    %add3A_310 = vector.broadcast %add3A_309 : i32 to vector<16xi32>
    %add3A_311 = arith.addi %add3A_310, %iota3A : vector<16xi32>
    %lt3A_312 = vector.broadcast %scan3A_39 : i32 to vector<16xi32>
    %lt3A_313 = arith.cmpi slt, %add3A_311, %lt3A_312 : vector<16xi32>
    %add3A_314 = vector.broadcast %add3A_56 : i32 to vector<16xi32>
    %add3A_315 = arith.addi %add3A_314, %add3A_311 : vector<16xi32>
    %broadcast_in_dim3A_316 = vector.broadcast %add3A_61 : i32 to vector<16xi32>
    %select_n3A_317 = arith.select %lt3A_313, %add3A_315, %broadcast_in_dim3A_316 : vector<16xi1>, vector<16xi32>
    %swap3A_318 = arith.constant 2 : i32
    %swap3A_319 = arith.index_cast %swap3A_318 : i32 to index
    %swap3A_320 = arith.constant 48 : index
    %swap3A_321 = tpu.vector_load %arg9[%swap3A_319, %swap3A_320] {strides = array<i32>} : memref<5x128xi32, #tpu.memory_space<vmem>>, vector<16xi32>,
    tpu.vector_store %arg9[%swap3A_319, %swap3A_320], %select_n3A_317 {strides = array<i32>} : memref<5x128xi32, #tpu.memory_space<vmem>>, vector<16xi32>,
    %add3A_322 = arith.constant 320 : i32
    %add3A_323 = vector.broadcast %add3A_322 : i32 to vector<16xi32>
    %add3A_324 = arith.addi %add3A_323, %iota3A : vector<16xi32>
    %lt3A_325 = vector.broadcast %scan3A_39 : i32 to vector<16xi32>
    %lt3A_326 = arith.cmpi slt, %add3A_324, %lt3A_325 : vector<16xi32>
    %add3A_327 = vector.broadcast %add3A_56 : i32 to vector<16xi32>
    %add3A_328 = arith.addi %add3A_327, %add3A_324 : vector<16xi32>
    %broadcast_in_dim3A_329 = vector.broadcast %add3A_61 : i32 to vector<16xi32>
    %select_n3A_330 = arith.select %lt3A_326, %add3A_328, %broadcast_in_dim3A_329 : vector<16xi1>, vector<16xi32>
    %swap3A_331 = arith.constant 2 : i32
    %swap3A_332 = arith.index_cast %swap3A_331 : i32 to index
    %swap3A_333 = arith.constant 64 : index
    %swap3A_334 = tpu.vector_load %arg9[%swap3A_332, %swap3A_333] {strides = array<i32>} : memref<5x128xi32, #tpu.memory_space<vmem>>, vector<16xi32>,
    tpu.vector_store %arg9[%swap3A_332, %swap3A_333], %select_n3A_330 {strides = array<i32>} : memref<5x128xi32, #tpu.memory_space<vmem>>, vector<16xi32>,
    %add3A_335 = arith.constant 336 : i32
    %add3A_336 = vector.broadcast %add3A_335 : i32 to vector<16xi32>
    %add3A_337 = arith.addi %add3A_336, %iota3A : vector<16xi32>
    %lt3A_338 = vector.broadcast %scan3A_39 : i32 to vector<16xi32>
    %lt3A_339 = arith.cmpi slt, %add3A_337, %lt3A_338 : vector<16xi32>
    %add3A_340 = vector.broadcast %add3A_56 : i32 to vector<16xi32>
    %add3A_341 = arith.addi %add3A_340, %add3A_337 : vector<16xi32>
    %broadcast_in_dim3A_342 = vector.broadcast %add3A_61 : i32 to vector<16xi32>
    %select_n3A_343 = arith.select %lt3A_339, %add3A_341, %broadcast_in_dim3A_342 : vector<16xi1>, vector<16xi32>
    %swap3A_344 = arith.constant 2 : i32
    %swap3A_345 = arith.index_cast %swap3A_344 : i32 to index
    %swap3A_346 = arith.constant 80 : index
    %swap3A_347 = tpu.vector_load %arg9[%swap3A_345, %swap3A_346] {strides = array<i32>} : memref<5x128xi32, #tpu.memory_space<vmem>>, vector<16xi32>,
    tpu.vector_store %arg9[%swap3A_345, %swap3A_346], %select_n3A_343 {strides = array<i32>} : memref<5x128xi32, #tpu.memory_space<vmem>>, vector<16xi32>,
    %add3A_348 = arith.constant 352 : i32
    %add3A_349 = vector.broadcast %add3A_348 : i32 to vector<16xi32>
    %add3A_350 = arith.addi %add3A_349, %iota3A : vector<16xi32>
    %lt3A_351 = vector.broadcast %scan3A_39 : i32 to vector<16xi32>
    %lt3A_352 = arith.cmpi slt, %add3A_350, %lt3A_351 : vector<16xi32>
    %add3A_353 = vector.broadcast %add3A_56 : i32 to vector<16xi32>
    %add3A_354 = arith.addi %add3A_353, %add3A_350 : vector<16xi32>
    %broadcast_in_dim3A_355 = vector.broadcast %add3A_61 : i32 to vector<16xi32>
    %select_n3A_356 = arith.select %lt3A_352, %add3A_354, %broadcast_in_dim3A_355 : vector<16xi1>, vector<16xi32>
    %swap3A_357 = arith.constant 2 : i32
    %swap3A_358 = arith.index_cast %swap3A_357 : i32 to index
    %swap3A_359 = arith.constant 96 : index
    %swap3A_360 = tpu.vector_load %arg9[%swap3A_358, %swap3A_359] {strides = array<i32>} : memref<5x128xi32, #tpu.memory_space<vmem>>, vector<16xi32>,
    tpu.vector_store %arg9[%swap3A_358, %swap3A_359], %select_n3A_356 {strides = array<i32>} : memref<5x128xi32, #tpu.memory_space<vmem>>, vector<16xi32>,
    %add3A_361 = arith.constant 368 : i32
    %add3A_362 = vector.broadcast %add3A_361 : i32 to vector<16xi32>
    %add3A_363 = arith.addi %add3A_362, %iota3A : vector<16xi32>
    %lt3A_364 = vector.broadcast %scan3A_39 : i32 to vector<16xi32>
    %lt3A_365 = arith.cmpi slt, %add3A_363, %lt3A_364 : vector<16xi32>
    %add3A_366 = vector.broadcast %add3A_56 : i32 to vector<16xi32>
    %add3A_367 = arith.addi %add3A_366, %add3A_363 : vector<16xi32>
    %broadcast_in_dim3A_368 = vector.broadcast %add3A_61 : i32 to vector<16xi32>
    %select_n3A_369 = arith.select %lt3A_365, %add3A_367, %broadcast_in_dim3A_368 : vector<16xi1>, vector<16xi32>
    %swap3A_370 = arith.constant 2 : i32
    %swap3A_371 = arith.index_cast %swap3A_370 : i32 to index
    %swap3A_372 = arith.constant 112 : index
    %swap3A_373 = tpu.vector_load %arg9[%swap3A_371, %swap3A_372] {strides = array<i32>} : memref<5x128xi32, #tpu.memory_space<vmem>>, vector<16xi32>,
    tpu.vector_store %arg9[%swap3A_371, %swap3A_372], %select_n3A_369 {strides = array<i32>} : memref<5x128xi32, #tpu.memory_space<vmem>>, vector<16xi32>,
    %add3A_374 = arith.constant 384 : i32
    %add3A_375 = vector.broadcast %add3A_374 : i32 to vector<16xi32>
    %add3A_376 = arith.addi %add3A_375, %iota3A : vector<16xi32>
    %lt3A_377 = vector.broadcast %scan3A_39 : i32 to vector<16xi32>
    %lt3A_378 = arith.cmpi slt, %add3A_376, %lt3A_377 : vector<16xi32>
    %add3A_379 = vector.broadcast %add3A_56 : i32 to vector<16xi32>
    %add3A_380 = arith.addi %add3A_379, %add3A_376 : vector<16xi32>
    %broadcast_in_dim3A_381 = vector.broadcast %add3A_61 : i32 to vector<16xi32>
    %select_n3A_382 = arith.select %lt3A_378, %add3A_380, %broadcast_in_dim3A_381 : vector<16xi1>, vector<16xi32>
    %swap3A_383 = arith.constant 3 : i32
    %swap3A_384 = arith.index_cast %swap3A_383 : i32 to index
    %swap3A_385 = arith.constant 0 : index
    %swap3A_386 = tpu.vector_load %arg9[%swap3A_384, %swap3A_385] {strides = array<i32>} : memref<5x128xi32, #tpu.memory_space<vmem>>, vector<16xi32>,
    tpu.vector_store %arg9[%swap3A_384, %swap3A_385], %select_n3A_382 {strides = array<i32>} : memref<5x128xi32, #tpu.memory_space<vmem>>, vector<16xi32>,
    %add3A_387 = arith.constant 400 : i32
    %add3A_388 = vector.broadcast %add3A_387 : i32 to vector<16xi32>
    %add3A_389 = arith.addi %add3A_388, %iota3A : vector<16xi32>
    %lt3A_390 = vector.broadcast %scan3A_39 : i32 to vector<16xi32>
    %lt3A_391 = arith.cmpi slt, %add3A_389, %lt3A_390 : vector<16xi32>
    %add3A_392 = vector.broadcast %add3A_56 : i32 to vector<16xi32>
    %add3A_393 = arith.addi %add3A_392, %add3A_389 : vector<16xi32>
    %broadcast_in_dim3A_394 = vector.broadcast %add3A_61 : i32 to vector<16xi32>
    %select_n3A_395 = arith.select %lt3A_391, %add3A_393, %broadcast_in_dim3A_394 : vector<16xi1>, vector<16xi32>
    %swap3A_396 = arith.constant 3 : i32
    %swap3A_397 = arith.index_cast %swap3A_396 : i32 to index
    %swap3A_398 = arith.constant 16 : index
    %swap3A_399 = tpu.vector_load %arg9[%swap3A_397, %swap3A_398] {strides = array<i32>} : memref<5x128xi32, #tpu.memory_space<vmem>>, vector<16xi32>,
    tpu.vector_store %arg9[%swap3A_397, %swap3A_398], %select_n3A_395 {strides = array<i32>} : memref<5x128xi32, #tpu.memory_space<vmem>>, vector<16xi32>,
    %add3A_400 = arith.constant 416 : i32
    %add3A_401 = vector.broadcast %add3A_400 : i32 to vector<16xi32>
    %add3A_402 = arith.addi %add3A_401, %iota3A : vector<16xi32>
    %lt3A_403 = vector.broadcast %scan3A_39 : i32 to vector<16xi32>
    %lt3A_404 = arith.cmpi slt, %add3A_402, %lt3A_403 : vector<16xi32>
    %add3A_405 = vector.broadcast %add3A_56 : i32 to vector<16xi32>
    %add3A_406 = arith.addi %add3A_405, %add3A_402 : vector<16xi32>
    %broadcast_in_dim3A_407 = vector.broadcast %add3A_61 : i32 to vector<16xi32>
    %select_n3A_408 = arith.select %lt3A_404, %add3A_406, %broadcast_in_dim3A_407 : vector<16xi1>, vector<16xi32>
    %swap3A_409 = arith.constant 3 : i32
    %swap3A_410 = arith.index_cast %swap3A_409 : i32 to index
    %swap3A_411 = arith.constant 32 : index
    %swap3A_412 = tpu.vector_load %arg9[%swap3A_410, %swap3A_411] {strides = array<i32>} : memref<5x128xi32, #tpu.memory_space<vmem>>, vector<16xi32>,
    tpu.vector_store %arg9[%swap3A_410, %swap3A_411], %select_n3A_408 {strides = array<i32>} : memref<5x128xi32, #tpu.memory_space<vmem>>, vector<16xi32>,
    %add3A_413 = arith.constant 432 : i32
    %add3A_414 = vector.broadcast %add3A_413 : i32 to vector<16xi32>
    %add3A_415 = arith.addi %add3A_414, %iota3A : vector<16xi32>
    %lt3A_416 = vector.broadcast %scan3A_39 : i32 to vector<16xi32>
    %lt3A_417 = arith.cmpi slt, %add3A_415, %lt3A_416 : vector<16xi32>
    %add3A_418 = vector.broadcast %add3A_56 : i32 to vector<16xi32>
    %add3A_419 = arith.addi %add3A_418, %add3A_415 : vector<16xi32>
    %broadcast_in_dim3A_420 = vector.broadcast %add3A_61 : i32 to vector<16xi32>
    %select_n3A_421 = arith.select %lt3A_417, %add3A_419, %broadcast_in_dim3A_420 : vector<16xi1>, vector<16xi32>
    %swap3A_422 = arith.constant 3 : i32
    %swap3A_423 = arith.index_cast %swap3A_422 : i32 to index
    %swap3A_424 = arith.constant 48 : index
    %swap3A_425 = tpu.vector_load %arg9[%swap3A_423, %swap3A_424] {strides = array<i32>} : memref<5x128xi32, #tpu.memory_space<vmem>>, vector<16xi32>,
    tpu.vector_store %arg9[%swap3A_423, %swap3A_424], %select_n3A_421 {strides = array<i32>} : memref<5x128xi32, #tpu.memory_space<vmem>>, vector<16xi32>,
    %add3A_426 = arith.constant 448 : i32
    %add3A_427 = vector.broadcast %add3A_426 : i32 to vector<16xi32>
    %add3A_428 = arith.addi %add3A_427, %iota3A : vector<16xi32>
    %lt3A_429 = vector.broadcast %scan3A_39 : i32 to vector<16xi32>
    %lt3A_430 = arith.cmpi slt, %add3A_428, %lt3A_429 : vector<16xi32>
    %add3A_431 = vector.broadcast %add3A_56 : i32 to vector<16xi32>
    %add3A_432 = arith.addi %add3A_431, %add3A_428 : vector<16xi32>
    %broadcast_in_dim3A_433 = vector.broadcast %add3A_61 : i32 to vector<16xi32>
    %select_n3A_434 = arith.select %lt3A_430, %add3A_432, %broadcast_in_dim3A_433 : vector<16xi1>, vector<16xi32>
    %swap3A_435 = arith.constant 3 : i32
    %swap3A_436 = arith.index_cast %swap3A_435 : i32 to index
    %swap3A_437 = arith.constant 64 : index
    %swap3A_438 = tpu.vector_load %arg9[%swap3A_436, %swap3A_437] {strides = array<i32>} : memref<5x128xi32, #tpu.memory_space<vmem>>, vector<16xi32>,
    tpu.vector_store %arg9[%swap3A_436, %swap3A_437], %select_n3A_434 {strides = array<i32>} : memref<5x128xi32, #tpu.memory_space<vmem>>, vector<16xi32>,
    %add3A_439 = arith.constant 464 : i32
    %add3A_440 = vector.broadcast %add3A_439 : i32 to vector<16xi32>
    %add3A_441 = arith.addi %add3A_440, %iota3A : vector<16xi32>
    %lt3A_442 = vector.broadcast %scan3A_39 : i32 to vector<16xi32>
    %lt3A_443 = arith.cmpi slt, %add3A_441, %lt3A_442 : vector<16xi32>
    %add3A_444 = vector.broadcast %add3A_56 : i32 to vector<16xi32>
    %add3A_445 = arith.addi %add3A_444, %add3A_441 : vector<16xi32>
    %broadcast_in_dim3A_446 = vector.broadcast %add3A_61 : i32 to vector<16xi32>
    %select_n3A_447 = arith.select %lt3A_443, %add3A_445, %broadcast_in_dim3A_446 : vector<16xi1>, vector<16xi32>
    %swap3A_448 = arith.constant 3 : i32
    %swap3A_449 = arith.index_cast %swap3A_448 : i32 to index
    %swap3A_450 = arith.constant 80 : index
    %swap3A_451 = tpu.vector_load %arg9[%swap3A_449, %swap3A_450] {strides = array<i32>} : memref<5x128xi32, #tpu.memory_space<vmem>>, vector<16xi32>,
    tpu.vector_store %arg9[%swap3A_449, %swap3A_450], %select_n3A_447 {strides = array<i32>} : memref<5x128xi32, #tpu.memory_space<vmem>>, vector<16xi32>,
    %add3A_452 = arith.constant 480 : i32
    %add3A_453 = vector.broadcast %add3A_452 : i32 to vector<16xi32>
    %add3A_454 = arith.addi %add3A_453, %iota3A : vector<16xi32>
    %lt3A_455 = vector.broadcast %scan3A_39 : i32 to vector<16xi32>
    %lt3A_456 = arith.cmpi slt, %add3A_454, %lt3A_455 : vector<16xi32>
    %add3A_457 = vector.broadcast %add3A_56 : i32 to vector<16xi32>
    %add3A_458 = arith.addi %add3A_457, %add3A_454 : vector<16xi32>
    %broadcast_in_dim3A_459 = vector.broadcast %add3A_61 : i32 to vector<16xi32>
    %select_n3A_460 = arith.select %lt3A_456, %add3A_458, %broadcast_in_dim3A_459 : vector<16xi1>, vector<16xi32>
    %swap3A_461 = arith.constant 3 : i32
    %swap3A_462 = arith.index_cast %swap3A_461 : i32 to index
    %swap3A_463 = arith.constant 96 : index
    %swap3A_464 = tpu.vector_load %arg9[%swap3A_462, %swap3A_463] {strides = array<i32>} : memref<5x128xi32, #tpu.memory_space<vmem>>, vector<16xi32>,
    tpu.vector_store %arg9[%swap3A_462, %swap3A_463], %select_n3A_460 {strides = array<i32>} : memref<5x128xi32, #tpu.memory_space<vmem>>, vector<16xi32>,
    %add3A_465 = arith.constant 496 : i32
    %add3A_466 = vector.broadcast %add3A_465 : i32 to vector<16xi32>
    %add3A_467 = arith.addi %add3A_466, %iota3A : vector<16xi32>
    %lt3A_468 = vector.broadcast %scan3A_39 : i32 to vector<16xi32>
    %lt3A_469 = arith.cmpi slt, %add3A_467, %lt3A_468 : vector<16xi32>
    %add3A_470 = vector.broadcast %add3A_56 : i32 to vector<16xi32>
    %add3A_471 = arith.addi %add3A_470, %add3A_467 : vector<16xi32>
    %broadcast_in_dim3A_472 = vector.broadcast %add3A_61 : i32 to vector<16xi32>
    %select_n3A_473 = arith.select %lt3A_469, %add3A_471, %broadcast_in_dim3A_472 : vector<16xi1>, vector<16xi32>
    %swap3A_474 = arith.constant 3 : i32
    %swap3A_475 = arith.index_cast %swap3A_474 : i32 to index
    %swap3A_476 = arith.constant 112 : index
    %swap3A_477 = tpu.vector_load %arg9[%swap3A_475, %swap3A_476] {strides = array<i32>} : memref<5x128xi32, #tpu.memory_space<vmem>>, vector<16xi32>,
    tpu.vector_store %arg9[%swap3A_475, %swap3A_476], %select_n3A_473 {strides = array<i32>} : memref<5x128xi32, #tpu.memory_space<vmem>>, vector<16xi32>,
    %add3A_478 = arith.constant 512 : i32
    %add3A_479 = vector.broadcast %add3A_478 : i32 to vector<16xi32>
    %add3A_480 = arith.addi %add3A_479, %iota3A : vector<16xi32>
    %lt3A_481 = vector.broadcast %scan3A_39 : i32 to vector<16xi32>
    %lt3A_482 = arith.cmpi slt, %add3A_480, %lt3A_481 : vector<16xi32>
    %add3A_483 = vector.broadcast %add3A_56 : i32 to vector<16xi32>
    %add3A_484 = arith.addi %add3A_483, %add3A_480 : vector<16xi32>
    %broadcast_in_dim3A_485 = vector.broadcast %add3A_61 : i32 to vector<16xi32>
    %select_n3A_486 = arith.select %lt3A_482, %add3A_484, %broadcast_in_dim3A_485 : vector<16xi1>, vector<16xi32>
    %swap3A_487 = arith.constant 4 : i32
    %swap3A_488 = arith.index_cast %swap3A_487 : i32 to index
    %swap3A_489 = arith.constant 0 : index
    %swap3A_490 = tpu.vector_load %arg9[%swap3A_488, %swap3A_489] {strides = array<i32>} : memref<5x128xi32, #tpu.memory_space<vmem>>, vector<16xi32>,
    tpu.vector_store %arg9[%swap3A_488, %swap3A_489], %select_n3A_486 {strides = array<i32>} : memref<5x128xi32, #tpu.memory_space<vmem>>, vector<16xi32>,
    %add3A_491 = arith.constant 528 : i32
    %add3A_492 = vector.broadcast %add3A_491 : i32 to vector<16xi32>
    %add3A_493 = arith.addi %add3A_492, %iota3A : vector<16xi32>
    %lt3A_494 = vector.broadcast %scan3A_39 : i32 to vector<16xi32>
    %lt3A_495 = arith.cmpi slt, %add3A_493, %lt3A_494 : vector<16xi32>
    %add3A_496 = vector.broadcast %add3A_56 : i32 to vector<16xi32>
    %add3A_497 = arith.addi %add3A_496, %add3A_493 : vector<16xi32>
    %broadcast_in_dim3A_498 = vector.broadcast %add3A_61 : i32 to vector<16xi32>
    %select_n3A_499 = arith.select %lt3A_495, %add3A_497, %broadcast_in_dim3A_498 : vector<16xi1>, vector<16xi32>
    %swap3A_500 = arith.constant 4 : i32
    %swap3A_501 = arith.index_cast %swap3A_500 : i32 to index
    %swap3A_502 = arith.constant 16 : index
    %swap3A_503 = tpu.vector_load %arg9[%swap3A_501, %swap3A_502] {strides = array<i32>} : memref<5x128xi32, #tpu.memory_space<vmem>>, vector<16xi32>,
    tpu.vector_store %arg9[%swap3A_501, %swap3A_502], %select_n3A_499 {strides = array<i32>} : memref<5x128xi32, #tpu.memory_space<vmem>>, vector<16xi32>,
    %add3A_504 = arith.constant 544 : i32
    %add3A_505 = vector.broadcast %add3A_504 : i32 to vector<16xi32>
    %add3A_506 = arith.addi %add3A_505, %iota3A : vector<16xi32>
    %lt3A_507 = vector.broadcast %scan3A_39 : i32 to vector<16xi32>
    %lt3A_508 = arith.cmpi slt, %add3A_506, %lt3A_507 : vector<16xi32>
    %add3A_509 = vector.broadcast %add3A_56 : i32 to vector<16xi32>
    %add3A_510 = arith.addi %add3A_509, %add3A_506 : vector<16xi32>
    %broadcast_in_dim3A_511 = vector.broadcast %add3A_61 : i32 to vector<16xi32>
    %select_n3A_512 = arith.select %lt3A_508, %add3A_510, %broadcast_in_dim3A_511 : vector<16xi1>, vector<16xi32>
    %swap3A_513 = arith.constant 4 : i32
    %swap3A_514 = arith.index_cast %swap3A_513 : i32 to index
    %swap3A_515 = arith.constant 32 : index
    %swap3A_516 = tpu.vector_load %arg9[%swap3A_514, %swap3A_515] {strides = array<i32>} : memref<5x128xi32, #tpu.memory_space<vmem>>, vector<16xi32>,
    tpu.vector_store %arg9[%swap3A_514, %swap3A_515], %select_n3A_512 {strides = array<i32>} : memref<5x128xi32, #tpu.memory_space<vmem>>, vector<16xi32>,
    %add3A_517 = arith.constant 560 : i32
    %add3A_518 = vector.broadcast %add3A_517 : i32 to vector<16xi32>
    %add3A_519 = arith.addi %add3A_518, %iota3A : vector<16xi32>
    %lt3A_520 = vector.broadcast %scan3A_39 : i32 to vector<16xi32>
    %lt3A_521 = arith.cmpi slt, %add3A_519, %lt3A_520 : vector<16xi32>
    %add3A_522 = vector.broadcast %add3A_56 : i32 to vector<16xi32>
    %add3A_523 = arith.addi %add3A_522, %add3A_519 : vector<16xi32>
    %broadcast_in_dim3A_524 = vector.broadcast %add3A_61 : i32 to vector<16xi32>
    %select_n3A_525 = arith.select %lt3A_521, %add3A_523, %broadcast_in_dim3A_524 : vector<16xi1>, vector<16xi32>
    %swap3A_526 = arith.constant 4 : i32
    %swap3A_527 = arith.index_cast %swap3A_526 : i32 to index
    %swap3A_528 = arith.constant 48 : index
    %swap3A_529 = tpu.vector_load %arg9[%swap3A_527, %swap3A_528] {strides = array<i32>} : memref<5x128xi32, #tpu.memory_space<vmem>>, vector<16xi32>,
    tpu.vector_store %arg9[%swap3A_527, %swap3A_528], %select_n3A_525 {strides = array<i32>} : memref<5x128xi32, #tpu.memory_space<vmem>>, vector<16xi32>,
    %add3A_530 = arith.constant 576 : i32
    %add3A_531 = vector.broadcast %add3A_530 : i32 to vector<16xi32>
    %add3A_532 = arith.addi %add3A_531, %iota3A : vector<16xi32>
    %lt3A_533 = vector.broadcast %scan3A_39 : i32 to vector<16xi32>
    %lt3A_534 = arith.cmpi slt, %add3A_532, %lt3A_533 : vector<16xi32>
    %add3A_535 = vector.broadcast %add3A_56 : i32 to vector<16xi32>
    %add3A_536 = arith.addi %add3A_535, %add3A_532 : vector<16xi32>
    %broadcast_in_dim3A_537 = vector.broadcast %add3A_61 : i32 to vector<16xi32>
    %select_n3A_538 = arith.select %lt3A_534, %add3A_536, %broadcast_in_dim3A_537 : vector<16xi1>, vector<16xi32>
    %swap3A_539 = arith.constant 4 : i32
    %swap3A_540 = arith.index_cast %swap3A_539 : i32 to index
    %swap3A_541 = arith.constant 64 : index
    %swap3A_542 = tpu.vector_load %arg9[%swap3A_540, %swap3A_541] {strides = array<i32>} : memref<5x128xi32, #tpu.memory_space<vmem>>, vector<16xi32>,
    tpu.vector_store %arg9[%swap3A_540, %swap3A_541], %select_n3A_538 {strides = array<i32>} : memref<5x128xi32, #tpu.memory_space<vmem>>, vector<16xi32>,
    %add3A_543 = arith.constant 592 : i32
    %add3A_544 = vector.broadcast %add3A_543 : i32 to vector<16xi32>
    %add3A_545 = arith.addi %add3A_544, %iota3A : vector<16xi32>
    %lt3A_546 = vector.broadcast %scan3A_39 : i32 to vector<16xi32>
    %lt3A_547 = arith.cmpi slt, %add3A_545, %lt3A_546 : vector<16xi32>
    %add3A_548 = vector.broadcast %add3A_56 : i32 to vector<16xi32>
    %add3A_549 = arith.addi %add3A_548, %add3A_545 : vector<16xi32>
    %broadcast_in_dim3A_550 = vector.broadcast %add3A_61 : i32 to vector<16xi32>
    %select_n3A_551 = arith.select %lt3A_547, %add3A_549, %broadcast_in_dim3A_550 : vector<16xi1>, vector<16xi32>
    %swap3A_552 = arith.constant 4 : i32
    %swap3A_553 = arith.index_cast %swap3A_552 : i32 to index
    %swap3A_554 = arith.constant 80 : index
    %swap3A_555 = tpu.vector_load %arg9[%swap3A_553, %swap3A_554] {strides = array<i32>} : memref<5x128xi32, #tpu.memory_space<vmem>>, vector<16xi32>,
    tpu.vector_store %arg9[%swap3A_553, %swap3A_554], %select_n3A_551 {strides = array<i32>} : memref<5x128xi32, #tpu.memory_space<vmem>>, vector<16xi32>,
    %add3A_556 = arith.constant 608 : i32
    %add3A_557 = vector.broadcast %add3A_556 : i32 to vector<16xi32>
    %add3A_558 = arith.addi %add3A_557, %iota3A : vector<16xi32>
    %lt3A_559 = vector.broadcast %scan3A_39 : i32 to vector<16xi32>
    %lt3A_560 = arith.cmpi slt, %add3A_558, %lt3A_559 : vector<16xi32>
    %add3A_561 = vector.broadcast %add3A_56 : i32 to vector<16xi32>
    %add3A_562 = arith.addi %add3A_561, %add3A_558 : vector<16xi32>
    %broadcast_in_dim3A_563 = vector.broadcast %add3A_61 : i32 to vector<16xi32>
    %select_n3A_564 = arith.select %lt3A_560, %add3A_562, %broadcast_in_dim3A_563 : vector<16xi1>, vector<16xi32>
    %swap3A_565 = arith.constant 4 : i32
    %swap3A_566 = arith.index_cast %swap3A_565 : i32 to index
    %swap3A_567 = arith.constant 96 : index
    %swap3A_568 = tpu.vector_load %arg9[%swap3A_566, %swap3A_567] {strides = array<i32>} : memref<5x128xi32, #tpu.memory_space<vmem>>, vector<16xi32>,
    tpu.vector_store %arg9[%swap3A_566, %swap3A_567], %select_n3A_564 {strides = array<i32>} : memref<5x128xi32, #tpu.memory_space<vmem>>, vector<16xi32>,
    %add3A_569 = arith.constant 624 : i32
    %add3A_570 = vector.broadcast %add3A_569 : i32 to vector<16xi32>
    %add3A_571 = arith.addi %add3A_570, %iota3A : vector<16xi32>
    %lt3A_572 = vector.broadcast %scan3A_39 : i32 to vector<16xi32>
    %lt3A_573 = arith.cmpi slt, %add3A_571, %lt3A_572 : vector<16xi32>
    %add3A_574 = vector.broadcast %add3A_56 : i32 to vector<16xi32>
    %add3A_575 = arith.addi %add3A_574, %add3A_571 : vector<16xi32>
    %broadcast_in_dim3A_576 = vector.broadcast %add3A_61 : i32 to vector<16xi32>
    %select_n3A_577 = arith.select %lt3A_573, %add3A_575, %broadcast_in_dim3A_576 : vector<16xi1>, vector<16xi32>
    %swap3A_578 = arith.constant 4 : i32
    %swap3A_579 = arith.index_cast %swap3A_578 : i32 to index
    %swap3A_580 = arith.constant 112 : index
    %swap3A_581 = tpu.vector_load %arg9[%swap3A_579, %swap3A_580] {strides = array<i32>} : memref<5x128xi32, #tpu.memory_space<vmem>>, vector<16xi32>,
    tpu.vector_store %arg9[%swap3A_579, %swap3A_580], %select_n3A_577 {strides = array<i32>} : memref<5x128xi32, #tpu.memory_space<vmem>>, vector<16xi32>,
    %scan3A_582 = arith.constant 0 : i32
    %scan3A_583 = arith.constant 0 : i32
    %scan3A_584 = arith.constant 40 : i32
    %scan3A_585 = arith.addi %scan3A_583, %scan3A_584 : i32
    %scan3A_586 = arith.constant 1 : i32
    %scan3A_587 = scf.for %scan3A_669 = %scan3A_583 to %scan3A_585 step %scan3A_586 iter_args(%scan3A_670 = %scan3A_582) -> (i32)  : i32 {
      %mul3A_671 = arith.constant 16 : i32
      %mul3A_672 = arith.muli %scan3A_669, %mul3A_671 : i32
      %get3A = arith.index_cast %mul3A_672 : i32 to index
      %get3A_673 = tpu.vector_load %arg7[%get3A] {strides = array<i32>} : memref<640xi32, #tpu.memory_space<vmem>>, vector<16xi32>,
      %gt3A = arith.constant 0 : i32
      %gt3A_674 = vector.broadcast %gt3A : i32 to vector<16xi32>
      %gt3A_675 = arith.cmpi sgt, %get3A_673, %gt3A_674 : vector<16xi32>
      %mul3A_676 = arith.constant 16 : i32
      %mul3A_677 = arith.muli %scan3A_669, %mul3A_676 : i32
      %add3A_678 = arith.addi %mul3A_33, %mul3A_677 : i32
      %add3A_679 = vector.broadcast %add3A_678 : i32 to vector<16xi32>
      %add3A_680 = arith.addi %add3A_679, %iota3A : vector<16xi32>
      %convert_element_type3A = arith.extui %gt3A_675 : vector<16xi1> to vector<16xi32>
      %broadcast_in_dim3A_681 = arith.constant true
      %broadcast_in_dim3A_682 = vector.broadcast %broadcast_in_dim3A_681 : i1 to vector<16xi1>
      %masked_cumsum3A = tpu.scan <sum>, %convert_element_type3A masked %broadcast_in_dim3A_682 : vector<16xi32>, vector<16xi1> -> vector<16xi32>
      %add3A_683 = vector.broadcast %scan3A_670 : i32 to vector<16xi32>
      %add3A_684 = arith.addi %add3A_683, %masked_cumsum3A : vector<16xi32>
      %sub3A = arith.constant 1 : i32
      %sub3A_685 = vector.broadcast %sub3A : i32 to vector<16xi32>
      %sub3A_686 = arith.subi %add3A_684, %sub3A_685 : vector<16xi32>
      %jit3A_687 = arith.constant 0 : i32
      %broadcast_in_dim3A_688 = vector.broadcast %jit3A_687 : i32 to vector<16xi32>
      %select_n3A_689 = arith.select %gt3A_675, %sub3A_686, %broadcast_in_dim3A_688 : vector<16xi1>, vector<16xi32>
      tpu.vector_store_idx %arg8[%select_n3A_689], %add3A_680 masked %gt3A_675 : memref<640xi32, #tpu.memory_space<vmem>>[vector<16xi32>], vector<16xi32>, vector<16xi1>
      %reduce_sum3A_690 = arith.constant true
      %reduce_sum3A_691 = vector.broadcast %reduce_sum3A_690 : i1 to vector<16xi1>
      %reduce_sum3A_692 = tpu.scan <sum>, %convert_element_type3A masked %reduce_sum3A_691 : vector<16xi32>, vector<16xi1> -> vector<16xi32>
      %reduce_sum3A_693 = vector.extract %reduce_sum3A_692[15] : i32 from vector<16xi32>
      %add3A_694 = arith.addi %scan3A_670, %reduce_sum3A_693 : i32
      scf.yield %add3A_694 : i32
    }
    %scan3A_588 = arith.constant 40 : i32
    %dma_start3A_589 = arith.constant 0 : i32
    %dma_start3A_590 = arith.constant 0 : i32
    %dma_start3A_591 = tpu.memref_slice %arg8[%dma_start3A_590] : memref<640xi32, #tpu.memory_space<vmem>> -> memref<128xi32, #tpu.memory_space<vmem>>
    %dma_start3A_592 = arith.constant 0 : i32
    %dma_start3A_593 = tpu.memref_slice %arg9[%dma_start3A_589, %dma_start3A_592] : memref<5x128xi32, #tpu.memory_space<vmem>> -> memref<1x128xi32, #tpu.memory_space<vmem>>
    %dma_start3A_594 = tpu.memref_squeeze %dma_start3A_593 : memref<1x128xi32, #tpu.memory_space<vmem>> -> memref<128xi32, #tpu.memory_space<vmem>>
    %dma_start3A_595 = arith.constant 0 : i32
    %dma_start3A_596 = tpu.memref_slice %arg3[%dma_start3A_595] : memref<20480xi32, #tpu.memory_space<hbm>> -> memref<20480xi32, #tpu.memory_space<hbm>>
    tpu.enqueue_indirect_dma source(%dma_start3A_591 : memref<128xi32, #tpu.memory_space<vmem>>) target(%dma_start3A_596 : memref<20480xi32, #tpu.memory_space<hbm>>) offsets(%dma_start3A_594 : memref<128xi32, #tpu.memory_space<vmem>>) semaphore(%arg15 : memref<!tpu.dma_semaphore, #tpu.memory_space<semaphore_mem>>)
    %dma_start3A_597 = arith.constant 1 : i32
    %dma_start3A_598 = arith.constant 128 : i32
    %dma_start3A_599 = tpu.memref_slice %arg8[%dma_start3A_598] : memref<640xi32, #tpu.memory_space<vmem>> -> memref<128xi32, #tpu.memory_space<vmem>>
    %dma_start3A_600 = arith.constant 0 : i32
    %dma_start3A_601 = tpu.memref_slice %arg9[%dma_start3A_597, %dma_start3A_600] : memref<5x128xi32, #tpu.memory_space<vmem>> -> memref<1x128xi32, #tpu.memory_space<vmem>>
    %dma_start3A_602 = tpu.memref_squeeze %dma_start3A_601 : memref<1x128xi32, #tpu.memory_space<vmem>> -> memref<128xi32, #tpu.memory_space<vmem>>
    %dma_start3A_603 = arith.constant 0 : i32
    %dma_start3A_604 = tpu.memref_slice %arg3[%dma_start3A_603] : memref<20480xi32, #tpu.memory_space<hbm>> -> memref<20480xi32, #tpu.memory_space<hbm>>
    tpu.enqueue_indirect_dma source(%dma_start3A_599 : memref<128xi32, #tpu.memory_space<vmem>>) target(%dma_start3A_604 : memref<20480xi32, #tpu.memory_space<hbm>>) offsets(%dma_start3A_602 : memref<128xi32, #tpu.memory_space<vmem>>) semaphore(%arg15 : memref<!tpu.dma_semaphore, #tpu.memory_space<semaphore_mem>>)
    %dma_start3A_605 = arith.constant 2 : i32
    %dma_start3A_606 = arith.constant 256 : i32
    %dma_start3A_607 = tpu.memref_slice %arg8[%dma_start3A_606] : memref<640xi32, #tpu.memory_space<vmem>> -> memref<128xi32, #tpu.memory_space<vmem>>
    %dma_start3A_608 = arith.constant 0 : i32
    %dma_start3A_609 = tpu.memref_slice %arg9[%dma_start3A_605, %dma_start3A_608] : memref<5x128xi32, #tpu.memory_space<vmem>> -> memref<1x128xi32, #tpu.memory_space<vmem>>
    %dma_start3A_610 = tpu.memref_squeeze %dma_start3A_609 : memref<1x128xi32, #tpu.memory_space<vmem>> -> memref<128xi32, #tpu.memory_space<vmem>>
    %dma_start3A_611 = arith.constant 0 : i32
    %dma_start3A_612 = tpu.memref_slice %arg3[%dma_start3A_611] : memref<20480xi32, #tpu.memory_space<hbm>> -> memref<20480xi32, #tpu.memory_space<hbm>>
    tpu.enqueue_indirect_dma source(%dma_start3A_607 : memref<128xi32, #tpu.memory_space<vmem>>) target(%dma_start3A_612 : memref<20480xi32, #tpu.memory_space<hbm>>) offsets(%dma_start3A_610 : memref<128xi32, #tpu.memory_space<vmem>>) semaphore(%arg15 : memref<!tpu.dma_semaphore, #tpu.memory_space<semaphore_mem>>)
    %dma_start3A_613 = arith.constant 3 : i32
    %dma_start3A_614 = arith.constant 384 : i32
    %dma_start3A_615 = tpu.memref_slice %arg8[%dma_start3A_614] : memref<640xi32, #tpu.memory_space<vmem>> -> memref<128xi32, #tpu.memory_space<vmem>>
    %dma_start3A_616 = arith.constant 0 : i32
    %dma_start3A_617 = tpu.memref_slice %arg9[%dma_start3A_613, %dma_start3A_616] : memref<5x128xi32, #tpu.memory_space<vmem>> -> memref<1x128xi32, #tpu.memory_space<vmem>>
    %dma_start3A_618 = tpu.memref_squeeze %dma_start3A_617 : memref<1x128xi32, #tpu.memory_space<vmem>> -> memref<128xi32, #tpu.memory_space<vmem>>
    %dma_start3A_619 = arith.constant 0 : i32
    %dma_start3A_620 = tpu.memref_slice %arg3[%dma_start3A_619] : memref<20480xi32, #tpu.memory_space<hbm>> -> memref<20480xi32, #tpu.memory_space<hbm>>
    tpu.enqueue_indirect_dma source(%dma_start3A_615 : memref<128xi32, #tpu.memory_space<vmem>>) target(%dma_start3A_620 : memref<20480xi32, #tpu.memory_space<hbm>>) offsets(%dma_start3A_618 : memref<128xi32, #tpu.memory_space<vmem>>) semaphore(%arg15 : memref<!tpu.dma_semaphore, #tpu.memory_space<semaphore_mem>>)
    %dma_start3A_621 = arith.constant 4 : i32
    %dma_start3A_622 = arith.constant 512 : i32
    %dma_start3A_623 = tpu.memref_slice %arg8[%dma_start3A_622] : memref<640xi32, #tpu.memory_space<vmem>> -> memref<128xi32, #tpu.memory_space<vmem>>
    %dma_start3A_624 = arith.constant 0 : i32
    %dma_start3A_625 = tpu.memref_slice %arg9[%dma_start3A_621, %dma_start3A_624] : memref<5x128xi32, #tpu.memory_space<vmem>> -> memref<1x128xi32, #tpu.memory_space<vmem>>
    %dma_start3A_626 = tpu.memref_squeeze %dma_start3A_625 : memref<1x128xi32, #tpu.memory_space<vmem>> -> memref<128xi32, #tpu.memory_space<vmem>>
    %dma_start3A_627 = arith.constant 0 : i32
    %dma_start3A_628 = tpu.memref_slice %arg3[%dma_start3A_627] : memref<20480xi32, #tpu.memory_space<hbm>> -> memref<20480xi32, #tpu.memory_space<hbm>>
    tpu.enqueue_indirect_dma source(%dma_start3A_623 : memref<128xi32, #tpu.memory_space<vmem>>) target(%dma_start3A_628 : memref<20480xi32, #tpu.memory_space<hbm>>) offsets(%dma_start3A_626 : memref<128xi32, #tpu.memory_space<vmem>>) semaphore(%arg15 : memref<!tpu.dma_semaphore, #tpu.memory_space<semaphore_mem>>)
    %dma_wait3A_629 = arith.constant 0 : i32
    %dma_wait3A_630 = arith.constant 0 : i32
    %dma_wait3A_631 = tpu.memref_slice %arg8[%dma_wait3A_630] : memref<640xi32, #tpu.memory_space<vmem>> -> memref<128xi32, #tpu.memory_space<vmem>>
    %dma_wait3A_632 = arith.constant 0 : i32
    %dma_wait3A_633 = tpu.memref_slice %arg9[%dma_wait3A_629, %dma_wait3A_632] : memref<5x128xi32, #tpu.memory_space<vmem>> -> memref<1x128xi32, #tpu.memory_space<vmem>>
    %dma_wait3A_634 = tpu.memref_squeeze %dma_wait3A_633 : memref<1x128xi32, #tpu.memory_space<vmem>> -> memref<128xi32, #tpu.memory_space<vmem>>
    %dma_wait3A_635 = arith.constant 0 : i32
    %dma_wait3A_636 = tpu.memref_slice %arg3[%dma_wait3A_635] : memref<20480xi32, #tpu.memory_space<hbm>> -> memref<20480xi32, #tpu.memory_space<hbm>>
    tpu.wait_indirect_dma semaphore(%arg15 : memref<!tpu.dma_semaphore, #tpu.memory_space<semaphore_mem>>) src(%dma_wait3A_631 : memref<128xi32, #tpu.memory_space<vmem>>) dst(%dma_wait3A_636 : memref<20480xi32, #tpu.memory_space<hbm>>)
    %dma_wait3A_637 = arith.constant 1 : i32
    %dma_wait3A_638 = arith.constant 128 : i32
    %dma_wait3A_639 = tpu.memref_slice %arg8[%dma_wait3A_638] : memref<640xi32, #tpu.memory_space<vmem>> -> memref<128xi32, #tpu.memory_space<vmem>>
    %dma_wait3A_640 = arith.constant 0 : i32
    %dma_wait3A_641 = tpu.memref_slice %arg9[%dma_wait3A_637, %dma_wait3A_640] : memref<5x128xi32, #tpu.memory_space<vmem>> -> memref<1x128xi32, #tpu.memory_space<vmem>>
    %dma_wait3A_642 = tpu.memref_squeeze %dma_wait3A_641 : memref<1x128xi32, #tpu.memory_space<vmem>> -> memref<128xi32, #tpu.memory_space<vmem>>
    %dma_wait3A_643 = arith.constant 0 : i32
    %dma_wait3A_644 = tpu.memref_slice %arg3[%dma_wait3A_643] : memref<20480xi32, #tpu.memory_space<hbm>> -> memref<20480xi32, #tpu.memory_space<hbm>>
    tpu.wait_indirect_dma semaphore(%arg15 : memref<!tpu.dma_semaphore, #tpu.memory_space<semaphore_mem>>) src(%dma_wait3A_639 : memref<128xi32, #tpu.memory_space<vmem>>) dst(%dma_wait3A_644 : memref<20480xi32, #tpu.memory_space<hbm>>)
    %dma_wait3A_645 = arith.constant 2 : i32
    %dma_wait3A_646 = arith.constant 256 : i32
    %dma_wait3A_647 = tpu.memref_slice %arg8[%dma_wait3A_646] : memref<640xi32, #tpu.memory_space<vmem>> -> memref<128xi32, #tpu.memory_space<vmem>>
    %dma_wait3A_648 = arith.constant 0 : i32
    %dma_wait3A_649 = tpu.memref_slice %arg9[%dma_wait3A_645, %dma_wait3A_648] : memref<5x128xi32, #tpu.memory_space<vmem>> -> memref<1x128xi32, #tpu.memory_space<vmem>>
    %dma_wait3A_650 = tpu.memref_squeeze %dma_wait3A_649 : memref<1x128xi32, #tpu.memory_space<vmem>> -> memref<128xi32, #tpu.memory_space<vmem>>
    %dma_wait3A_651 = arith.constant 0 : i32
    %dma_wait3A_652 = tpu.memref_slice %arg3[%dma_wait3A_651] : memref<20480xi32, #tpu.memory_space<hbm>> -> memref<20480xi32, #tpu.memory_space<hbm>>
    tpu.wait_indirect_dma semaphore(%arg15 : memref<!tpu.dma_semaphore, #tpu.memory_space<semaphore_mem>>) src(%dma_wait3A_647 : memref<128xi32, #tpu.memory_space<vmem>>) dst(%dma_wait3A_652 : memref<20480xi32, #tpu.memory_space<hbm>>)
    %dma_wait3A_653 = arith.constant 3 : i32
    %dma_wait3A_654 = arith.constant 384 : i32
    %dma_wait3A_655 = tpu.memref_slice %arg8[%dma_wait3A_654] : memref<640xi32, #tpu.memory_space<vmem>> -> memref<128xi32, #tpu.memory_space<vmem>>
    %dma_wait3A_656 = arith.constant 0 : i32
    %dma_wait3A_657 = tpu.memref_slice %arg9[%dma_wait3A_653, %dma_wait3A_656] : memref<5x128xi32, #tpu.memory_space<vmem>> -> memref<1x128xi32, #tpu.memory_space<vmem>>
    %dma_wait3A_658 = tpu.memref_squeeze %dma_wait3A_657 : memref<1x128xi32, #tpu.memory_space<vmem>> -> memref<128xi32, #tpu.memory_space<vmem>>
    %dma_wait3A_659 = arith.constant 0 : i32
    %dma_wait3A_660 = tpu.memref_slice %arg3[%dma_wait3A_659] : memref<20480xi32, #tpu.memory_space<hbm>> -> memref<20480xi32, #tpu.memory_space<hbm>>
    tpu.wait_indirect_dma semaphore(%arg15 : memref<!tpu.dma_semaphore, #tpu.memory_space<semaphore_mem>>) src(%dma_wait3A_655 : memref<128xi32, #tpu.memory_space<vmem>>) dst(%dma_wait3A_660 : memref<20480xi32, #tpu.memory_space<hbm>>)
    %dma_wait3A_661 = arith.constant 4 : i32
    %dma_wait3A_662 = arith.constant 512 : i32
    %dma_wait3A_663 = tpu.memref_slice %arg8[%dma_wait3A_662] : memref<640xi32, #tpu.memory_space<vmem>> -> memref<128xi32, #tpu.memory_space<vmem>>
    %dma_wait3A_664 = arith.constant 0 : i32
    %dma_wait3A_665 = tpu.memref_slice %arg9[%dma_wait3A_661, %dma_wait3A_664] : memref<5x128xi32, #tpu.memory_space<vmem>> -> memref<1x128xi32, #tpu.memory_space<vmem>>
    %dma_wait3A_666 = tpu.memref_squeeze %dma_wait3A_665 : memref<1x128xi32, #tpu.memory_space<vmem>> -> memref<128xi32, #tpu.memory_space<vmem>>
    %dma_wait3A_667 = arith.constant 0 : i32
    %dma_wait3A_668 = tpu.memref_slice %arg3[%dma_wait3A_667] : memref<20480xi32, #tpu.memory_space<hbm>> -> memref<20480xi32, #tpu.memory_space<hbm>>
    tpu.wait_indirect_dma semaphore(%arg15 : memref<!tpu.dma_semaphore, #tpu.memory_space<semaphore_mem>>) src(%dma_wait3A_663 : memref<128xi32, #tpu.memory_space<vmem>>) dst(%dma_wait3A_668 : memref<20480xi32, #tpu.memory_space<hbm>>)
    return
  }
}

module attributes {stable_mosaic.version = 14 : i64} {
  func.func @_embed_body(%arg0: i32, %arg1: memref<400x10000xf32, #tpu.memory_space<vmem>>, %arg2: memref<10000x1xf32, #tpu.memory_space<vmem>>, %arg3: memref<1x32xf32, #tpu.memory_space<vmem>>, %arg4: memref<32x24xf32, #tpu.memory_space<vmem>>, %arg5: memref<1x32xf32, #tpu.memory_space<vmem>>, %arg6: memref<32x24xf32, #tpu.memory_space<vmem>>, %arg7: memref<24x1xf32, #tpu.memory_space<vmem>>, %arg8: memref<1x1xf32, #tpu.memory_space<vmem>>, %arg9: memref<24x1xf32, #tpu.memory_space<vmem>>, %arg10: memref<1x1xf32, #tpu.memory_space<vmem>>, %arg11: memref<400x1xf32, #tpu.memory_space<vmem>>, %arg12: memref<400x1xf32, #tpu.memory_space<vmem>>) attributes {dimension_semantics = [#tpu.dimension_semantics<arbitrary>], iteration_bounds = array<i64: 25>, scalar_prefetch = 0 : i64, scratch_operands = 0 : i64, tpu.core_type = #tpu.core_type<tc>, window_params = [{transform_indices = @transform_0, window_bounds = array<i64: 400, 10000>}, {pipeline_mode = #tpu.pipeline_mode<synchronous>, transform_indices = @transform_1, window_bounds = array<i64: 10000, 1>}, {pipeline_mode = #tpu.pipeline_mode<synchronous>, transform_indices = @transform_2, window_bounds = array<i64: 1, 32>}, {pipeline_mode = #tpu.pipeline_mode<synchronous>, transform_indices = @transform_3, window_bounds = array<i64: 32, 24>}, {pipeline_mode = #tpu.pipeline_mode<synchronous>, transform_indices = @transform_4, window_bounds = array<i64: 1, 32>}, {pipeline_mode = #tpu.pipeline_mode<synchronous>, transform_indices = @transform_5, window_bounds = array<i64: 32, 24>}, {pipeline_mode = #tpu.pipeline_mode<synchronous>, transform_indices = @transform_6, window_bounds = array<i64: 24, 1>}, {pipeline_mode = #tpu.pipeline_mode<synchronous>, transform_indices = @transform_7, window_bounds = array<i64: 1, 1>}, {pipeline_mode = #tpu.pipeline_mode<synchronous>, transform_indices = @transform_8, window_bounds = array<i64: 24, 1>}, {pipeline_mode = #tpu.pipeline_mode<synchronous>, transform_indices = @transform_9, window_bounds = array<i64: 1, 1>}, {transform_indices = @transform_10, window_bounds = array<i64: 400, 1>}, {transform_indices = @transform_11, window_bounds = array<i64: 400, 1>}]} {
    %get3A = arith.constant 0 : index
    %get3A_0 = arith.constant 0 : index
    %get3A_1 = vector.load %arg1[%get3A, %get3A_0] : memref<400x10000xf32, #tpu.memory_space<vmem>>, vector<400x10000xf32>
    %get3A_2 = arith.constant 0 : index
    %get3A_3 = arith.constant 0 : index
    %get3A_4 = vector.load %arg2[%get3A_2, %get3A_3] : memref<10000x1xf32, #tpu.memory_space<vmem>>, vector<10000x1xf32>
    %dot_general3A = arith.constant dense<0.000000e+00> : vector<400x1xf32>
    %dot_general3A_5 = tpu.matmul %get3A_1, %get3A_4, %dot_general3A {dimension_numbers = #tpu.dot_dimension_numbers<[1], [0], [0], [1], [0, 0, 1, 1], [], []>, transpose_lhs_hint = false} : vector<400x10000xf32>, vector<10000x1xf32>, vector<400x1xf32> -> vector<400x1xf32>
    %get3A_6 = arith.constant 0 : index
    %get3A_7 = arith.constant 0 : index
    %get3A_8 = vector.load %arg4[%get3A_6, %get3A_7] : memref<32x24xf32, #tpu.memory_space<vmem>>, vector<32x24xf32>
    %get3A_9 = arith.constant 0 : index
    %get3A_10 = arith.constant 0 : index
    %get3A_11 = vector.load %arg9[%get3A_9, %get3A_10] : memref<24x1xf32, #tpu.memory_space<vmem>>, vector<24x1xf32>
    %dot_general3A_12 = arith.constant dense<0.000000e+00> : vector<32x1xf32>
    %dot_general3A_13 = tpu.matmul %get3A_8, %get3A_11, %dot_general3A_12 {dimension_numbers = #tpu.dot_dimension_numbers<[1], [0], [0], [1], [0, 0, 1, 1], [], []>, transpose_lhs_hint = false} : vector<32x24xf32>, vector<24x1xf32>, vector<32x1xf32> -> vector<32x1xf32>
    %get3A_14 = arith.constant 0 : index
    %get3A_15 = arith.constant 0 : index
    %get3A_16 = vector.load %arg6[%get3A_14, %get3A_15] : memref<32x24xf32, #tpu.memory_space<vmem>>, vector<32x24xf32>
    %get3A_17 = arith.constant 0 : index
    %get3A_18 = arith.constant 0 : index
    %get3A_19 = vector.load %arg7[%get3A_17, %get3A_18] : memref<24x1xf32, #tpu.memory_space<vmem>>, vector<24x1xf32>
    %dot_general3A_20 = arith.constant dense<0.000000e+00> : vector<32x1xf32>
    %dot_general3A_21 = tpu.matmul %get3A_16, %get3A_19, %dot_general3A_20 {dimension_numbers = #tpu.dot_dimension_numbers<[1], [0], [0], [1], [0, 0, 1, 1], [], []>, transpose_lhs_hint = false} : vector<32x24xf32>, vector<24x1xf32>, vector<32x1xf32> -> vector<32x1xf32>
    %get3A_22 = arith.constant 0 : index
    %get3A_23 = arith.constant 0 : index
    %get3A_24 = vector.load %arg3[%get3A_22, %get3A_23] : memref<1x32xf32, #tpu.memory_space<vmem>>, vector<1x32xf32>
    %mul3A = vector.broadcast %dot_general3A_5 : vector<400x1xf32> to vector<400x32xf32>
    %mul3A_25 = vector.broadcast %get3A_24 : vector<1x32xf32> to vector<400x32xf32>
    %mul3A_26 = arith.mulf %mul3A, %mul3A_25 : vector<400x32xf32>
    %tanh3A = math.tanh %mul3A_26 : vector<400x32xf32>
    %get3A_27 = arith.constant 0 : index
    %get3A_28 = arith.constant 0 : index
    %get3A_29 = vector.load %arg5[%get3A_27, %get3A_28] : memref<1x32xf32, #tpu.memory_space<vmem>>, vector<1x32xf32>
    %mul3A_30 = vector.broadcast %dot_general3A_5 : vector<400x1xf32> to vector<400x32xf32>
    %mul3A_31 = vector.broadcast %get3A_29 : vector<1x32xf32> to vector<400x32xf32>
    %mul3A_32 = arith.mulf %mul3A_30, %mul3A_31 : vector<400x32xf32>
    %tanh3A_33 = math.tanh %mul3A_32 : vector<400x32xf32>
    %dot_general3A_34 = arith.constant dense<0.000000e+00> : vector<400x1xf32>
    %dot_general3A_35 = tpu.matmul %tanh3A, %dot_general3A_13, %dot_general3A_34 {dimension_numbers = #tpu.dot_dimension_numbers<[1], [0], [0], [1], [0, 0, 1, 1], [], []>, transpose_lhs_hint = false} : vector<400x32xf32>, vector<32x1xf32>, vector<400x1xf32> -> vector<400x1xf32>
    %get3A_36 = arith.constant 0 : index
    %get3A_37 = arith.constant 0 : index
    %get3A_38 = vector.load %arg10[%get3A_36, %get3A_37] : memref<1x1xf32, #tpu.memory_space<vmem>>, vector<1x1xf32>
    %get3A_39 = vector.extract %get3A_38[0, 0] : f32 from vector<1x1xf32>
    %add3A = vector.broadcast %get3A_39 : f32 to vector<400x1xf32>
    %add3A_40 = arith.addf %dot_general3A_35, %add3A : vector<400x1xf32>
    %swap3A = arith.constant 0 : index
    %swap3A_41 = arith.constant 0 : index
    %swap3A_42 = vector.load %arg12[%swap3A, %swap3A_41] : memref<400x1xf32, #tpu.memory_space<vmem>>, vector<400x1xf32>
    tpu.vector_store %arg12[%swap3A, %swap3A_41], %add3A_40 {strides = array<i32>} : memref<400x1xf32, #tpu.memory_space<vmem>>, vector<400x1xf32>,
    %dot_general3A_43 = arith.constant dense<0.000000e+00> : vector<400x1xf32>
    %dot_general3A_44 = tpu.matmul %tanh3A_33, %dot_general3A_21, %dot_general3A_43 {dimension_numbers = #tpu.dot_dimension_numbers<[1], [0], [0], [1], [0, 0, 1, 1], [], []>, transpose_lhs_hint = false} : vector<400x32xf32>, vector<32x1xf32>, vector<400x1xf32> -> vector<400x1xf32>
    %get3A_45 = arith.constant 0 : index
    %get3A_46 = arith.constant 0 : index
    %get3A_47 = vector.load %arg8[%get3A_45, %get3A_46] : memref<1x1xf32, #tpu.memory_space<vmem>>, vector<1x1xf32>
    %get3A_48 = vector.extract %get3A_47[0, 0] : f32 from vector<1x1xf32>
    %add3A_49 = vector.broadcast %get3A_48 : f32 to vector<400x1xf32>
    %add3A_50 = arith.addf %dot_general3A_44, %add3A_49 : vector<400x1xf32>
    %swap3A_51 = arith.constant 0 : index
    %swap3A_52 = arith.constant 0 : index
    %swap3A_53 = vector.load %arg11[%swap3A_51, %swap3A_52] : memref<400x1xf32, #tpu.memory_space<vmem>>, vector<400x1xf32>
    tpu.vector_store %arg11[%swap3A_51, %swap3A_52], %add3A_50 {strides = array<i32>} : memref<400x1xf32, #tpu.memory_space<vmem>>, vector<400x1xf32>,
    return
  }
  func.func @transform_0(%arg0: i32) -> (i32, i32) {
    %c0_i32 = arith.constant 0 : i32
    %c0_i32_0 = arith.constant 0 : i32
    return %arg0, %c0_i32 : i32, i32
  }
  func.func @transform_1(%arg0: i32) -> (i32, i32) {
    %c0_i32 = arith.constant 0 : i32
    %c0_i32_0 = arith.constant 0 : i32
    %c0_i32_1 = arith.constant 0 : i32
    return %c0_i32, %c0_i32_0 : i32, i32
  }
  func.func @transform_2(%arg0: i32) -> (i32, i32) {
    %c0_i32 = arith.constant 0 : i32
    %c0_i32_0 = arith.constant 0 : i32
    %c0_i32_1 = arith.constant 0 : i32
    return %c0_i32, %c0_i32_0 : i32, i32
  }
  func.func @transform_3(%arg0: i32) -> (i32, i32) {
    %c0_i32 = arith.constant 0 : i32
    %c0_i32_0 = arith.constant 0 : i32
    %c0_i32_1 = arith.constant 0 : i32
    return %c0_i32, %c0_i32_0 : i32, i32
  }
  func.func @transform_4(%arg0: i32) -> (i32, i32) {
    %c0_i32 = arith.constant 0 : i32
    %c0_i32_0 = arith.constant 0 : i32
    %c0_i32_1 = arith.constant 0 : i32
    return %c0_i32, %c0_i32_0 : i32, i32
  }
  func.func @transform_5(%arg0: i32) -> (i32, i32) {
    %c0_i32 = arith.constant 0 : i32
    %c0_i32_0 = arith.constant 0 : i32
    %c0_i32_1 = arith.constant 0 : i32
    return %c0_i32, %c0_i32_0 : i32, i32
  }
  func.func @transform_6(%arg0: i32) -> (i32, i32) {
    %c0_i32 = arith.constant 0 : i32
    %c0_i32_0 = arith.constant 0 : i32
    %c0_i32_1 = arith.constant 0 : i32
    return %c0_i32, %c0_i32_0 : i32, i32
  }
  func.func @transform_7(%arg0: i32) -> (i32, i32) {
    %c0_i32 = arith.constant 0 : i32
    %c0_i32_0 = arith.constant 0 : i32
    %c0_i32_1 = arith.constant 0 : i32
    return %c0_i32, %c0_i32_0 : i32, i32
  }
  func.func @transform_8(%arg0: i32) -> (i32, i32) {
    %c0_i32 = arith.constant 0 : i32
    %c0_i32_0 = arith.constant 0 : i32
    %c0_i32_1 = arith.constant 0 : i32
    return %c0_i32, %c0_i32_0 : i32, i32
  }
  func.func @transform_9(%arg0: i32) -> (i32, i32) {
    %c0_i32 = arith.constant 0 : i32
    %c0_i32_0 = arith.constant 0 : i32
    %c0_i32_1 = arith.constant 0 : i32
    return %c0_i32, %c0_i32_0 : i32, i32
  }
  func.func @transform_10(%arg0: i32) -> (i32, i32) {
    %c0_i32 = arith.constant 0 : i32
    %c0_i32_0 = arith.constant 0 : i32
    return %arg0, %c0_i32 : i32, i32
  }
  func.func @transform_11(%arg0: i32) -> (i32, i32) {
    %c0_i32 = arith.constant 0 : i32
    %c0_i32_0 = arith.constant 0 : i32
    return %arg0, %c0_i32 : i32, i32
  }
}

</mosaic_0001>

<sc_bundles>
// kernel: kernel.5.cloned.1.call-start
scs
__scs_entry_jumppad:
0x0: {  	(pc) =	sbr.rel $0x88, $3  }
0x1: {  	(tag) =	ssettag $0x0;
	lr =	simm.s32 $0x1  }
0x2: {  	[smem:$0x3F96] =	sst lr;
	_ =	strace $0xD0000000  }
0x3: {  	_ = 	snop  }
0x4: {  	_ = 	snop  }
0x5: {  	_ = 	snop  }
0x6: {  	_ = 	snop  }
0x7: {  	_ = 	snop  }
__scs_overlays_trampoline_lowered:
0x8: {  	[smem:$0x3FA5] =	sst s0  }
0x9: {  	[smem:$0x3FA6] =	sst s1  }
0xa: {  	[smem:$0x3FA7] =	sst s2  }
0xb: {  	[smem:$0x3FA8] =	sst s3  }
0xc: {  	[smem:$0x3FA9] =	sst s4  }
0xd: {  	[smem:$0x3FAA] =	sst s5  }
0xe: {  	[smem:$0x3FAB] =	sst s6  }
0xf: {  	[smem:$0x3FAC] =	sst s7  }
0x10: {  	[smem:$0x3FAD] =	sst s8  }
0x11: {  	[smem:$0x3FAE] =	sst s9;
	s0 =	simm.s32 @!p0 $0x0  }
0x12: {  	s1 =	sld [smem:$0x3F94];
	s0 =	simm.s32 @p0 $0x1  }
0x13: {  	[smem:$0x3FAF] =	sst s0;
	s0 =	simm.s32 @!p1 $0x0  }
0x14: {  	s2 =	sld [smem:$0x3F93];
	s0 =	simm.s32 @p1 $0x1  }
0x15: {  	[smem:$0x3FB0] =	sst s0;
	s0 =	simm.s32 @!p2 $0x0  }
0x16: {  	s3 =	sld [smem:$0x3FDB];
	s0 =	simm.s32 @p2 $0x1  }
0x17: {  	s4 =	simm.s32 $0x1BF5;
	[smem:$0x3FB2] =	sst s0  }
0x18: {  	s0 =	sld [smem:$0x3F95];
	_ =	swait.ge [sflag:s4], $0x0  }
0x19: {  	s7 =	sld [smem:$0x3F96]  }
0x1a: {  	s8 =	sadd.s32 $0xFFFFE003, lr  }
0x1b: {  	s9 =	sadd.s32 $0xFFFFFEF7, lr;
	s5 =	simm.s32 $0xFFFFFFFF;
	p2 =	slt.u32 s8, $0xFFFFF086  }
0x1c: {  	p1 =	slt.u32 s9, $0xF7A;
	s5 =	simm.s32 @!p2 $0x0  }
0x1d: {  	s5 =	simm.s32 @p1 $0x1;
	p0 =	seq.s32 s7, s2  }
0x1e: {  	s7 =	smul.u32 @!p0 $0xF7A, s2;
	p2 =	seq.s32 @!p0 s5, $0x0  }
0x1f: {  	s9 =	smul.u32 $0xF7A, s1;
	s8 =	simm.s32 @!p0 $0x1BF5;
	p2 =	por !p2, p0  }
0x20: {  	[sflag:s8] =	ssyncset.s32 @!p0 $0xFFFFF086;
	s6 =	sadd.s32 @!p0 s3, s7;
	s7 =	simm.s32 @!p0 $0x108  }
0x21: {  	s3 =	sadd.s32 s3, s9;
	s6 =	sadd.s32 @!p0 $0x88, s6;
	s7 =	simm.s32 @p2 $0x1082  }
0x22: {  	[simem:s7], [sflag:s8] =	dma.local @!p0 [hbm:s6], $0xF7A  }
0x23: {  	s9 =	sor.u32 $0xD0000000, s2;
	s6 =	simm.s32 $0x108;
	_ =	swait.ge @!p0 [sflag:s8], $0x0  }
0x24: {  	s3 =	sadd.s32 $0x88, s3;
	s6 =	simm.s32 @!p1 $0x1082;
	[sflag:s4] =	ssyncset.s32 $0xFFFFF086  }
0x25: {  	[simem:s6], [sflag:s4] =	dma.local [hbm:s3], $0xF7A  }
0x26: {  	[smem:$0x3F96] =	sst s1;
	(tag) =	ssettag s2;
	_ =	strace s9  }
0x27: {  	s1 =	sld [smem:$0x3FA6]  }
0x28: {  	s2 =	sld [smem:$0x3FA7]  }
0x29: {  	s4 =	sld [smem:$0x3FA9]  }
0x2a: {  	p0 =	seq.s32 s5, $0x0;
	s5 =	sld [smem:$0x3FAA]  }
0x2b: {  	s6 =	sld [smem:$0x3FAB]  }
0x2c: {  	s7 =	sld [smem:$0x3FAC]  }
0x2d: {  	s3 =	simm.s32 $0x108;
	s8 =	sld [smem:$0x3FAD]  }
0x2e: {  	s3 =	simm.s32 @!p0 $0x1082;
	s9 =	sld [smem:$0x3FAE]  }
0x2f: {  	lr =	sadd.s32 s0, s3;
	s0 =	sld [smem:$0x3FA5]  }
0x30: {  	s3 =	sld [smem:$0x3FA8]  }
0x31: {  	[smem:$0x3FB1] =	sst s10  }
0x32: {  	s10 =	sld [smem:$0x3FAF];
	_ =	sdelay $0x3  }
0x33: {  	p0 =	seq.s32 s10, $0x1;
	s10 =	sld [smem:$0x3FB1];
	_ =	sdelay $0x3  }
0x34: {  	[smem:$0x3FB1] =	sst s10  }
0x35: {  	s10 =	sld [smem:$0x3FB0];
	_ =	sdelay $0x3  }
0x36: {  	p1 =	seq.s32 s10, $0x1;
	s10 =	sld [smem:$0x3FB1];
	_ =	sdelay $0x3  }
0x37: {  	[smem:$0x3FB1] =	sst s10  }
0x38: {  	s10 =	sld [smem:$0x3FB2]  }
0x39: {  	_ = 	snop;
	(pc) =	sbr.ind lr, $3  }
0x3a: {  	_ = 	snop  }
0x3b: {  	_ = 	snop  }
0x3c: {  	p2 =	seq.s32 s10, $0x1;
	s10 =	sld [smem:$0x3FB1]  }
0x3d: {  	_ =	shalt  }
0x3e: {  	_ =	shalt  }
0x3f: {  	_ =	shalt  }
0x40: {  	_ =	shalt  }
0x41: {  	_ =	shalt  }
0x42: {  	_ =	shalt  }
0x43: {  	_ =	shalt  }
0x44: {  	_ =	shalt  }
0x45: {  	_ =	shalt  }
0x46: {  	_ =	shalt  }
0x47: {  	_ =	shalt  }
0x48: {  	_ =	shalt  }
0x49: {  	_ =	shalt  }
0x4a: {  	_ =	shalt  }
0x4b: {  	_ =	shalt  }
0x4c: {  	_ =	shalt  }
0x4d: {  	_ =	shalt  }
0x4e: {  	_ =	shalt  }
0x4f: {  	_ =	shalt  }
0x50: {  	_ =	shalt  }
0x51: {  	_ =	shalt  }
0x52: {  	_ =	shalt  }
0x53: {  	_ =	shalt  }
0x54: {  	_ =	shalt  }
0x55: {  	_ =	shalt  }
0x56: {  	_ =	shalt  }
0x57: {  	_ =	shalt  }
0x58: {  	_ =	shalt  }
0x59: {  	_ =	shalt  }
0x5a: {  	_ =	shalt  }
0x5b: {  	_ =	shalt  }
0x5c: {  	_ =	shalt  }
0x5d: {  	_ =	shalt  }
0x5e: {  	_ =	shalt  }
0x5f: {  	_ =	shalt  }
0x60: {  	_ =	shalt  }
0x61: {  	_ =	shalt  }
0x62: {  	_ =	shalt  }
0x63: {  	_ =	shalt  }
0x64: {  	_ =	shalt  }
0x65: {  	_ =	shalt  }
0x66: {  	_ =	shalt  }
0x67: {  	_ =	shalt  }
0x68: {  	_ =	shalt  }
0x69: {  	_ =	shalt  }
0x6a: {  	_ =	shalt  }
0x6b: {  	_ =	shalt  }
0x6c: {  	_ =	shalt  }
0x6d: {  	_ =	shalt  }
0x6e: {  	_ =	shalt  }
0x6f: {  	_ =	shalt  }
0x70: {  	_ =	shalt  }
0x71: {  	_ =	shalt  }
0x72: {  	_ =	shalt  }
0x73: {  	_ =	shalt  }
0x74: {  	_ =	shalt  }
0x75: {  	_ =	shalt  }
0x76: {  	_ =	shalt  }
0x77: {  	_ =	shalt  }
0x78: {  	_ =	shalt  }
0x79: {  	_ =	shalt  }
0x7a: {  	_ =	shalt  }
0x7b: {  	_ =	shalt  }
0x7c: {  	_ =	shalt  }
0x7d: {  	_ =	shalt  }
0x7e: {  	_ =	shalt  }
0x7f: {  	_ =	shalt  }
0x80: {  	_ =	shalt  }
0x81: {  	_ =	shalt  }
0x82: {  	_ =	shalt  }
0x83: {  	_ =	shalt  }
0x84: {  	_ =	shalt  }
0x85: {  	_ =	shalt  }
0x86: {  	_ =	shalt  }
0x87: {  	_ =	shalt  }
.Lfunc_end0:
.L_simem_size_0:
called_computation_lowered:
.L_overlay_start_0:
0x88: {  	s2 =	sld [smem:$0x3FD9]  }
0x89: {  	s3 =	sld [smem:$0x3FFE];
	_ =	sdelay $0x1  }
0x8a: {  	s1 =	srdreg.scid  }
0x8b: {  	s0 =	sand.u32 $0x1, s1  }
0x8c: {  	s16 =	sshll.u32 s0, $0xA;
	s2 =	sadd.s32 s3, s2  }
0x8d: {  	s2 =	sadd.s32 s2, s16  }
0x8e: {  	[smem:$0x3FBD] =	sst s2  }
0x8f: {  	_ = 	snop  }
0x90: {  	(tm) =	ssettm $0x1  }
0x91: {  	s17 =	sld [smem:$0x3FFB];
	_ =	sdelay $0x3  }
0x92: {  	_ =	strace s17  }
0x93: {  	s2 =	sld [smem:$0x3FFC];
	_ =	sdelay $0x3  }
0x94: {  	_ =	strace s2  }
0x95: {  	s2 =	sld [smem:$0x3FFD];
	_ =	sdelay $0x3  }
0x96: {  	_ =	strace s2  }
0x97: {  	_ =	strace $0x8FFFFFFF  }
0x98: {  	s18 =	sld [smem:$0x3FDB];
	_ =	sdelay $0x1  }
0x99: {  	s19 =	simm.s32 $_scs_section_size  }
0x9a: {  	s4 =	simm.s32 $_size__tile_overlayer_lowered;
	s5 =	simm.s32 $_tile_overlayer_lowered  }
0x9b: {  	s22 =	simm.s32 $0x1BFF;
	s21 =	sshll.u32 s5, $0x1;
	s2 =	sadd.s32 s19, s18  }
0x9c: {  	s6 =	simm.s32 $0x0;
	s20 =	sshll.u32 s4, $0x1;
	s4 =	sadd.s32 s21, s2  }
0x9d: {  	[timem:s6], [sflag:s22] =	dma.local [hbm:s4], s20  }
0x9e: {  	_ =	swait.ge [sflag:s22], s20  }
0x9f: {  	s3 =	ssub.s32 $0x0, s20;
	[sflag:s22] =	ssyncset.done $0x0  }
0xa0: {  	[sflag:s22] =	ssyncadd.s32 s3;
	_ =	sdelay $0x1  }
0xa1: {  	s23 =	simm.s32 $0x1B8B  }
0xa2: {  	_ =	swait.ge [sflag:s23], $0x1  }
0xa3: {  	[sflag:s23] =	ssyncset.done $0x0  }
0xa4: {  	s25 =	simm.s32 $0x1B8E;
	s24 =	sld [smem:$0x3FFE];
	[sflag:s23] =	ssyncadd.s32 $0xFFFFFFFF  }
0xa5: {  	s26 =	simm.s32 $execute0_lowered;
	[smem:$0x3FD2] =	sst s25  }
0xa6: {  	s4 =	sshll.u32 s26, $0x1;
	_ =	strace $0x80000046;
	[dreg:$0x1] =	wrdreg $0xFFFFFFFF  }
0xa7: {  	s28 =	simm.s32 $_size_execute0_lowered;
	s2 =	sadd.s32 s2, s4;
	[dreg:$0x0] =	wrdreg $0x0  }
0xa8: {  	s4 =	sshll.u32 s28, $0x1;
	[dreg:$0x2] =	wrdreg s2  }
0xa9: {  	[dreg:$0x3] =	wrdreg s4  }
0xaa: {  	[dreg:$0x4] =	wrdreg $0xC0  }
0xab: {  	_ =	task [dreg:s6], $0x5FFFF  }
0xac: {  	[dreg:$0x1] =	wrdreg $0xFFFFFFFF  }
0xad: {  	[dreg:$0x0] =	wrdreg $0x60  }
0xae: {  	[dreg:$0x2] =	wrdreg s24  }
0xaf: {  	[dreg:$0x3] =	wrdreg $0xAB800  }
0xb0: {  	[dreg:$0x4] =	wrdreg $0xD3800  }
0xb1: {  	[dreg:$0x5] =	wrdreg $0x9  }
0xb2: {  	_ =	task.clear_ibuf [dreg:s6], $0x6FFFF;
	_ =	strace $0x90000046  }
0xb3: {  	s29 =	simm.s32 $0x9;
	_ =	strace $0x80000048  }
0xb4: {  	_ =	swait.ge [sflag:s29], $0x1  }
0xb5: {  	[sflag:s29] =	ssyncadd.s32 $0xFFFFFFFF  }
0xb6: {  	_ =	strace $0x90000048  }
0xb7: {  	_ =	sfence  }
0xb8: {  	s30 =	sld [smem:$0x0];
	_ =	sdelay $0x2  }
0xb9: {  	s31 =	sshll.u32 s1, $0xD;
	s1 =	sshrl.u32 s1, $0x2  }
0xba: {  	s3 =	sand.u32 $0x4000, s31;
	s1 =	sadd.s32 s1, s30  }
0xbb: {  	s0 =	sor.u32 s3, s0;
	s1 =	sshll.u32 s1, $0x11  }
0xbc: {  	s0 =	sor.u32 s1, s0  }
0xbd: {  	s0 =	sadd.s32 $0x8F2B, s0  }
0xbe: {  	[sflag:s0] =	ssyncadd.remote.s32 $0x1  }
0xbf: {  	_ =	sfence.sel $0xFFFF  }
0xc0: {  	[dreg:$0x0] =	wrdreg $0xFFFFFFFF;
	(pc) =	sbr.abs _section_cstart, $3  }
0xc1: {  	[dreg:$0x1] =	wrdreg $0xFFFFFFFF  }
0xc2: {  	_ =	task.clear_ibuf [dreg:s6], $0x2FFFF;
	_ =	strace $0x9FFFFFFF  }
0xc3: {  	(tm) =	ssettm $0x7FFFFFFF  }
tec
execute0_lowered:
.L_overlay_start_1:
0x0: {  	(tag) =	ssettag $0x1  }
0x1: {  	s1 =	rddreg [dreg:$0x0]  }
0x2: {  	s0 =	srdreg.scid;
	s3 =	rddreg [dreg:$0x1]  }
0x3: {  	s11 =	stileid.u32;
	s12 =	rddreg [dreg:$0x2]  }
0x4: {  	s7 =	simm.s32 $0x0;
	v1 =	vimm.s32 $0x0;
	v2 =	vimm.s32 $0x1;
	s14 =	simm.s32 $0x2;
	s15 =	simm.s32 $0x1  }
0x5: {  	v3 =	vlaneseq.u32;
	vm0 =	vmxor vm0, vm0;
	s16 =	simm.s32 $0x4E80;
	s17 =	simm.s32 $0x80;
	s28 =	simm.s32 $0xA180;
	v4 =	vmov s11  }
0x6: {  	s29 =	simm.s32 $0xA480;
	s30 =	simm.s32 $0xA200;
	s5 =	smul.u32 $0x4E20, s11;
	v5 =	vor.u32 $0x10, v3;
	v6 =	vor.u32 $0x20, v3;
	v7 =	vor.u32 $0x30, v3  }
0x7: {  	s31 =	simm.s32 $0xA500;
	s0 =	sand.u32 $0x1, s0;
	s24 =	smul.u32 $0x5000, s11;
	v8 =	vor.u32 $0x40, v3;
	v9 =	vor.u32 $0x50, v3;
	v10 =	vor.u32 $0x60, v3  }
0x8: {  	[smem:$0x7FF] =	sst s7;
	s22 =	sshrl.u32 s11, $0x3;
	v11 =	vor.u32 $0x70, v3;
	v12 =	vor.u32 $0x80, v3;
	v13 =	vor.u32 $0x90, v3;
	s4 =	smul.u32 $0x4E200, s0  }
0x9: {  	s25 =	sshll.u32 s11, $0x7;
	v14 =	vor.u32 $0xA0, v3;
	v15 =	vor.u32 $0xB0, v3;
	v16 =	vor.u32 $0xC0, v3;
	s26 =	sshll.u32 s11, $0x4;
	s2 =	smul.u32 $0x2800, s0  }
0xa: {  	v17 =	vor.u32 $0xD0, v3;
	v18 =	vor.u32 $0xE0, v3;
	v19 =	vor.u32 $0xF0, v3;
	_ =	strace $0x80000047;
	s0 =	ssub.s32 $0x2, s0;
	s9 =	smul.u32 $0x50000, s22  }
0xb: {  	v20 =	vor.u32 $0x100, v3;
	v21 =	vor.u32 $0x110, v3;
	v22 =	vor.u32 $0x120, v3;
	s21 =	sshrl.u32 s0, $0x1;
	s6 =	sor.u32 s11, s2;
	s4 =	sadd.s32 s5, s4  }
0xc: {  	v23 =	vor.u32 $0x130, v3;
	v24 =	vor.u32 $0x140, v3;
	v25 =	vor.u32 $0x150, v3;
	s5 =	smul.u32 $0x280, s11;
	s0 =	ssub.s32 s0, s21;
	s9 =	sshrl.u32 s9, $0x2  }
0xd: {  	v26 =	vor.u32 $0x160, v3;
	v27 =	vor.u32 $0x170, v3;
	v28 =	vor.u32 $0x180, v3;
	s11 =	sadd.s32 s26, s12;
	s20 =	sadd.s32 $0x2710, s6;
	s4 =	sshrl.u32 s4, $0x3  }
0xe: {  	v29 =	vor.u32 $0x190, v3;
	v30 =	vor.u32 $0x1A0, v3;
	v31 =	vor.u32 $0x1B0, v3;
	s6 =	sadd.s32 $0x14000, s1;
	s9 =	sadd.s32 s9, s3;
	s12 =	smax.u32 s0, $0x1  }
0xf: {  	v32 =	vor.u32 $0x1C0, v3;
	v33 =	vor.u32 $0x1D0, v3;
	v34 =	vor.u32 $0x1E0, v3;
	s0 =	simm.s32 $0xA580;
	s4 =	sadd.s32 s4, s1;
	s23 =	sadd.s32 s5, s2  }
0x10: {  	v35 =	vor.u32 $0x1F0, v3;
	v36 =	vor.u32 $0x200, v3;
	v37 =	vor.u32 $0x210, v3;
	s7 =	sadd.s32 $0x600, s4;
	s1 =	sshrl.u32 s23, $0x3;
	s4 =	sshrl.u32 s24, $0x2  }
0x11: {  	v38 =	vor.u32 $0x220, v3;
	v39 =	vor.u32 $0x230, v3;
	v40 =	vor.u32 $0x240, v3;
	s23 =	simm.s32 $0xAA80;
	s24 =	simm.s32 $0xA100;
	s8 =	sadd.s32 s6, s1  }
0x12: {  	v41 =	vor.u32 $0x250, v3;
	v42 =	vor.u32 $0x260, v3;
	v43 =	vor.u32 $0x270, v3;
	s1 =	sand.u32 $0x380, s25;
	s10 =	sadd.s32 s4, s3;
	s3 =	simm.s32 $0xA300  }
0x13: {  	vm1 =	vgt.u32 v4, v3;
	v4 =	vmul.u32 $0x10, v3;
	v0 =	vmov s20;
	s4 =	simm.s32 $0x0;
	s9 =	sadd.s32 s1, s9;
	s1 =	simm.s32 $0xA280  }
.LBB2_1:
0x14: {  	s13 =	simm.s32 $0x0  }
0x15: {  	[tilespmem:s13], [sflag:$0x1] =	stream.linear.gather [hbm4b:s7+s13], $0x4E20, $0x38;
	[tilespmem:$0xD390] =	vst v63  }
0x16: {  	s18 =	simm.s32 $0x140;
	s13 =	simm.s32 $0x0  }
.LBB2_2:
0x17: {  	p0 =	sne.s32 s18, $0x9EC0;
	[tilespmem:s13+$0x4EC0] =	vst v1;
	s19 =	smov.u32 s18;
	s18 =	sadd.s32 $0x140, s18  }
.Ltmp0:
0x18: {  	[tilespmem:s13+$0x4EB0] =	vst v1;
	(pc) =	sbr.rel @p0 .LBB2_2-.Ltmp0, $4  }
0x19: {  	[tilespmem:s13+$0x4EA0] =	vst v1  }
0x1a: {  	[tilespmem:s13+$0x4E80] =	vst v1  }
0x1b: {  	[tilespmem:s13+$0x4E90] =	vst v1  }
0x1c: {  	s13 =	sshra.s32 s19, $0x2  }
0x1d: {  	[tilespmem:s13+$0x4EC0] =	vst v1  }
0x1e: {  	[tilespmem:s13+$0x4EB0] =	vst v1  }
0x1f: {  	[tilespmem:s13+$0x4EA0] =	vst v1  }
0x20: {  	[tilespmem:s13+$0x4E80] =	vst v1  }
0x21: {  	[tilespmem:s13+$0x4E90] =	vst v1  }
0x22: {  	[tilespmem:$0xA780] =	vst v1  }
0x23: {  	[tilespmem:$0xA790] =	vst v1  }
0x24: {  	[tilespmem:$0xA7A0] =	vst v1  }
0x25: {  	[tilespmem:$0xA7B0] =	vst v1  }
0x26: {  	[tilespmem:$0xA7C0] =	vst v1  }
0x27: {  	[tilespmem:$0xA7D0] =	vst v1  }
0x28: {  	[tilespmem:$0xA7E0] =	vst v1  }
0x29: {  	[tilespmem:$0xA7F0] =	vst v1  }
0x2a: {  	[tilespmem:$0xA800] =	vst v1  }
0x2b: {  	[tilespmem:$0xA810] =	vst v1  }
0x2c: {  	[tilespmem:$0xA820] =	vst v1  }
0x2d: {  	[tilespmem:$0xA830] =	vst v1  }
0x2e: {  	[tilespmem:$0xA840] =	vst v1  }
0x2f: {  	[tilespmem:$0xA850] =	vst v1  }
0x30: {  	[tilespmem:$0xA860] =	vst v1  }
0x31: {  	[tilespmem:$0xA870] =	vst v1  }
0x32: {  	[tilespmem:$0xA880] =	vst v1  }
0x33: {  	[tilespmem:$0xA890] =	vst v1  }
0x34: {  	[tilespmem:$0xA8A0] =	vst v1  }
0x35: {  	[tilespmem:$0xA8B0] =	vst v1  }
0x36: {  	[tilespmem:$0xA8C0] =	vst v1  }
0x37: {  	[tilespmem:$0xA8D0] =	vst v1  }
0x38: {  	[tilespmem:$0xA8E0] =	vst v1  }
0x39: {  	[tilespmem:$0xA8F0] =	vst v1  }
0x3a: {  	[tilespmem:$0xA900] =	vst v1  }
0x3b: {  	[tilespmem:$0xA910] =	vst v1  }
0x3c: {  	[tilespmem:$0xA920] =	vst v1  }
0x3d: {  	[tilespmem:$0xA930] =	vst v1  }
0x3e: {  	[tilespmem:$0xA940] =	vst v1  }
0x3f: {  	[tilespmem:$0xA950] =	vst v1  }
0x40: {  	[tilespmem:$0xA960] =	vst v1  }
0x41: {  	[tilespmem:$0xA970] =	vst v1  }
0x42: {  	[tilespmem:$0xA980] =	vst v1  }
0x43: {  	[tilespmem:$0xA990] =	vst v1  }
0x44: {  	[tilespmem:$0xA9A0] =	vst v1  }
0x45: {  	[tilespmem:$0xA9B0] =	vst v1  }
0x46: {  	[tilespmem:$0xA9C0] =	vst v1  }
0x47: {  	[tilespmem:$0xA9D0] =	vst v1  }
0x48: {  	[tilespmem:$0xA9E0] =	vst v1  }
0x49: {  	s13 =	simm.s32 $0x0;
	s18 =	simm.s32 $0xA780;
	[tilespmem:$0xA9F0] =	vst v1  }
0x4a: {  	[hbm4b:s8+s13] =	stream.linear.scatter [tilespmem:s18], [sflag:$0x2], $0x280, $0x38;
	[tilespmem:$0xD390] =	vst v63  }
0x4b: {  	_ =	swait.ge [sflag:s14], $0x280  }
0x4c: {  	[sflag:s14] =	ssyncset.done $0x0  }
0x4d: {  	[sflag:s14] =	ssyncadd.s32 $0xFFFFFD80  }
0x4e: {  	_ =	swait.ge [sflag:s15], $0x4E20  }
0x4f: {  	[sflag:s15] =	ssyncset.done $0x0  }
0x50: {  	[sflag:s15] =	ssyncadd.s32 $0xFFFFB1E0  }
.LBB2_4:
0x51: {  	s18 =	sshra.s32 s13, $0x2  }
0x52: {  	v44 =	vld [tilespmem:s18+$0x0];
	_ =	sdelay $0x7  }
0x53: {  	[tilespmem:v44+s16+$0x0] =	vst.idx.msk $0xffff, v2  }
0x54: {  	v44 =	vld [tilespmem:s18+$0x10];
	_ =	sdelay $0x7  }
0x55: {  	[tilespmem:v44+s16+$0x0] =	vst.idx.msk $0xffff, v2  }
0x56: {  	v44 =	vld [tilespmem:s18+$0x20];
	_ =	sdelay $0x7  }
0x57: {  	[tilespmem:v44+s16+$0x0] =	vst.idx.msk $0xffff, v2  }
0x58: {  	v44 =	vld [tilespmem:s18+$0x30];
	_ =	sdelay $0x7  }
0x59: {  	[tilespmem:v44+s16+$0x0] =	vst.idx.msk $0xffff, v2  }
0x5a: {  	v44 =	vld [tilespmem:s18+$0x40];
	_ =	sdelay $0x2  }
0x5b: {  	p0 =	sne.s32 s13, $0x13740  }
.Ltmp1:
0x5c: {  	_ = 	snop;
	(pc) =	sbr.rel @p0 .LBB2_4-.Ltmp1, $2  }
0x5d: {  	_ =	sdelay $0x2  }
0x5e: {  	s13 =	sadd.s32 $0x140, s13;
	[tilespmem:v44+s16+$0x0] =	vst.idx.msk $0xffff, v2  }
0x5f: {  	s13 =	simm.s32 $0x400  }
0x60: {  	[spmem:s9] =	stream.strided.scatter [tilespmem:s16], [sflag:$0x2], $0x2800, s13, s17, $0x38;
	[tilespmem:$0xD390] =	vst v63  }
0x61: {  	_ =	swait.ge [sflag:s14], $0x2800  }
0x62: {  	[sflag:s14] =	ssyncset.done $0x0  }
0x63: {  	s20 =	simm.s32 $0x1400;
	[sflag:s14] =	ssyncadd.s32 $0xFFFFD800  }
0x64: {  	s18 =	simm.s32 $0x14000;
	s19 =	simm.s32 $0x7680;
	[bflag:$0x0] =	sbarrier.arrive $0xFFFF  }
0x65: {  	[tilespmem:s19], [sflag:$0x2] =	stream.strided.gather [spmem:s10], $0x2800, s18, s20, $0x38;
	[tilespmem:$0xD390] =	vst v63  }
0x66: {  	s13 =	simm.s32 $0x0;
	_ =	swait.ge [sflag:s14], $0x2800  }
0x67: {  	s21 =	sand.u32 $0x70, s13;
	s22 =	sand.u32 $0x1C00, s13;
	[sflag:s14] =	ssyncset.done $0x0  }
0x68: {  	s18 =	sor.u32 s21, s22;
	[sflag:s14] =	ssyncadd.s32 $0xFFFFD800  }
0x69: {  	v44 =	vld [tilespmem:s18+$0x7700]  }
0x6a: {  	v45 =	vld [tilespmem:s18+$0x7680]  }
0x6b: {  	v46 =	vld [tilespmem:s18+$0x7780]  }
0x6c: {  	v47 =	vld [tilespmem:s18+$0x7800]  }
0x6d: {  	v48 =	vld [tilespmem:s18+$0x7880]  }
0x6e: {  	v49 =	vld [tilespmem:s18+$0x7900]  }
0x6f: {  	v53 =	vld [tilespmem:s18+$0x7980];
	v44 =	vor.u32 v45, v44  }
0x70: {  	v54 =	vld [tilespmem:s18+$0x7A00];
	v44 =	vor.u32 v46, v44  }
0x71: {  	v55 =	vld [tilespmem:s18+$0x8A80];
	v44 =	vor.u32 v47, v44  }
0x72: {  	v56 =	vld [tilespmem:s18+$0x8B00];
	v44 =	vor.u32 v48, v44  }
0x73: {  	v57 =	vld [tilespmem:s18+$0x8B80];
	v44 =	vor.u32 v49, v44  }
0x74: {  	v58 =	vld [tilespmem:s18+$0x8C00];
	v44 =	vor.u32 v53, v44  }
0x75: {  	v59 =	vld [tilespmem:s18+$0x8C80];
	v44 =	vor.u32 v54, v44  }
0x76: {  	v60 =	vld [tilespmem:s18+$0x8D00];
	v44 =	vor.u32 v55, v44  }
0x77: {  	v61 =	vld [tilespmem:s18+$0x8D80];
	v44 =	vor.u32 v56, v44  }
0x78: {  	v62 =	vld [tilespmem:s18+$0x8E00];
	v44 =	vor.u32 v57, v44  }
0x79: {  	v44 =	vor.u32 v58, v44  }
0x7a: {  	v44 =	vor.u32 v59, v44  }
0x7b: {  	v44 =	vor.u32 v60, v44  }
0x7c: {  	s25 =	sadd.s32 $0x0, s5;
	v44 =	vor.u32 v61, v44  }
0x7d: {  	vm2 =	vmmov vm0;
	p0 =	slt.u32 s25, $0x2710;
	v44 =	vor.u32 v62, v44  }
0x7e: {  	vm2 =	vmneg @p0 vm2;
	vm3 =	vgt.s32 v44, $0x0  }
0x7f: {  	s21 =	simm.s32 $0x10;
	s20 =	simm.s32 $0x80;
	vm2 =	vmand vm2, vm3  }
0x80: {  	s19 =	simm.s32 $0x9E80;
	s26 =	sand.u32 $0x70, s21;
	s22 =	sand.u32 $0x1C00, s20;
	v63 =	vsel vm2, $0x1, v1  }
0x81: {  	s25 =	sor.u32 s26, s22;
	[tilespmem:s19+$0x0] =	vst v63;
	(xrf0) =	vadd.scan.msk.s32 $0xffff, v63  }
0x82: {  	v44 =	vld [tilespmem:s25+$0x7700]  }
0x83: {  	s22 =	simm.s32 $0x30;
	s18 =	simm.s32 $0x20;
	v45 =	vld [tilespmem:s25+$0x7680]  }
.LBB2_6:
0x84: {  	p0 =	sne.s32 s22, $0x270;
	v46 =	vld [tilespmem:s25+$0x7780]  }
0x85: {  	v47 =	vld [tilespmem:s25+$0x7800]  }
0x86: {  	v48 =	vld [tilespmem:s25+$0x7880]  }
0x87: {  	v49 =	vld [tilespmem:s25+$0x7900];
	v50, _, _ =	vpop (xrf0)  }
0x88: {  	v44 =	vor.u32 v45, v44;
	v45 =	vld [tilespmem:s25+$0x7980];
	(v2sf) =	vpush v50, $0xF  }
0x89: {  	v44 =	vor.u32 v46, v44;
	v46 =	vld [tilespmem:s25+$0x7A00]  }
0x8a: {  	v44 =	vor.u32 v47, v44;
	v47 =	vld [tilespmem:s25+$0x8A80]  }
0x8b: {  	v44 =	vor.u32 v48, v44;
	v48 =	vld [tilespmem:s25+$0x8B00]  }
0x8c: {  	v44 =	vor.u32 v49, v44;
	v49 =	vld [tilespmem:s25+$0x8B80]  }
0x8d: {  	v44 =	vor.u32 v45, v44;
	v45 =	vld [tilespmem:s25+$0x8C00]  }
0x8e: {  	v44 =	vor.u32 v46, v44;
	v46 =	vld [tilespmem:s25+$0x8C80]  }
0x8f: {  	v44 =	vor.u32 v47, v44;
	v47 =	vld [tilespmem:s25+$0x8D00]  }
0x90: {  	v44 =	vor.u32 v48, v44;
	v48 =	vld [tilespmem:s25+$0x8D80]  }
0x91: {  	v44 =	vor.u32 v49, v44;
	v49 =	vld [tilespmem:s25+$0x8E00]  }
0x92: {  	v44 =	vor.u32 v45, v44  }
0x93: {  	v44 =	vor.u32 v46, v44  }
0x94: {  	v44 =	vor.u32 v47, v44  }
0x95: {  	s25 =	sadd.s32 s21, s5;
	s21 =	smov.u32 s18;
	s18 =	smov.u32 s22;
	v44 =	vor.u32 v48, v44  }
0x96: {  	vm3 =	vmmov vm0;
	p1 =	slt.u32 s25, $0x2710;
	v44 =	vor.u32 v49, v44  }
0x97: {  	vm3 =	vmneg @p1 vm3;
	vm2 =	vgt.s32 v44, $0x0;
	s25 =	spop (v2sf)  }
.Ltmp2:
0x98: {  	s20 =	sadd.s32 $0x80, s20;
	vm2 =	vmand vm3, vm2;
	s13 =	sadd.s32 s13, s25;
	(pc) =	sbr.rel @p0 .LBB2_6-.Ltmp2, $4  }
0x99: {  	s19 =	sadd.s32 $0x10, s19;
	s26 =	sand.u32 $0x1C00, s20;
	s25 =	sand.u32 $0x70, s21;
	v44 =	vsel vm2, $0x1, v1  }
0x9a: {  	s25 =	sor.u32 s25, s26;
	[tilespmem:s19+$0x0] =	vst v44;
	(xrf0) =	vadd.scan.msk.s32 $0xffff, v44  }
0x9b: {  	v44 =	vld [tilespmem:s25+$0x7700]  }
0x9c: {  	s22 =	sadd.s32 $0x10, s22;
	v45 =	vld [tilespmem:s25+$0x7680]  }
0x9d: {  	v46 =	vld [tilespmem:s25+$0x7780]  }
0x9e: {  	v47 =	vld [tilespmem:s25+$0x7800]  }
0x9f: {  	v48 =	vld [tilespmem:s25+$0x7880]  }
0xa0: {  	v49 =	vld [tilespmem:s25+$0x7900]  }
0xa1: {  	v57 =	vld [tilespmem:s25+$0x7980];
	v44 =	vor.u32 v45, v44  }
0xa2: {  	v58 =	vld [tilespmem:s25+$0x7A00];
	v44 =	vor.u32 v46, v44  }
0xa3: {  	v59 =	vld [tilespmem:s25+$0x8A80];
	v44 =	vor.u32 v47, v44  }
0xa4: {  	v60 =	vld [tilespmem:s25+$0x8B00];
	v44 =	vor.u32 v48, v44  }
0xa5: {  	v61 =	vld [tilespmem:s25+$0x8B80];
	v44 =	vor.u32 v49, v44  }
0xa6: {  	v62 =	vld [tilespmem:s25+$0x8C00];
	v44 =	vor.u32 v57, v44  }
0xa7: {  	v63 =	vld [tilespmem:s25+$0x8C80];
	v44 =	vor.u32 v58, v44  }
0xa8: {  	v52 =	vld [tilespmem:s25+$0x8D00];
	v44 =	vor.u32 v59, v44  }
0xa9: {  	v53 =	vld [tilespmem:s25+$0x8D80];
	v44 =	vor.u32 v60, v44  }
0xaa: {  	v54 =	vld [tilespmem:s25+$0x8E00];
	v44 =	vor.u32 v61, v44  }
0xab: {  	v44 =	vor.u32 v62, v44  }
0xac: {  	v44 =	vor.u32 v63, v44  }
0xad: {  	v44 =	vor.u32 v52, v44  }
0xae: {  	s21 =	sadd.s32 s21, s5;
	v44 =	vor.u32 v53, v44  }
0xaf: {  	vm2 =	vmmov vm0;
	p0 =	slt.u32 s21, $0x2710;
	v44 =	vor.u32 v54, v44  }
0xb0: {  	vm2 =	vmneg @p0 vm2;
	vm3 =	vgt.s32 v44, $0x0  }
0xb1: {  	s20 =	sadd.s32 $0x80, s20;
	vm2 =	vmand vm2, vm3  }
0xb2: {  	s26 =	sand.u32 $0x70, s18;
	s19 =	sadd.s32 $0x10, s19;
	s20 =	sand.u32 $0x1C00, s20;
	v44 =	vsel vm2, $0x1, v1  }
0xb3: {  	s20 =	sor.u32 s26, s20;
	[tilespmem:s19+$0x0] =	vst v44  }
0xb4: {  	v55 =	vld [tilespmem:s20+$0x7700]  }
0xb5: {  	v56 =	vld [tilespmem:s20+$0x7680]  }
0xb6: {  	v57 =	vld [tilespmem:s20+$0x7780]  }
0xb7: {  	v58 =	vld [tilespmem:s20+$0x7800]  }
0xb8: {  	v59 =	vld [tilespmem:s20+$0x7880]  }
0xb9: {  	v50 =	vld [tilespmem:s20+$0x7900]  }
0xba: {  	v60 =	vld [tilespmem:s20+$0x7980];
	v45 =	vor.u32 v56, v55  }
0xbb: {  	v61 =	vld [tilespmem:s20+$0x7A00];
	v45 =	vor.u32 v57, v45  }
0xbc: {  	v62 =	vld [tilespmem:s20+$0x8A80];
	v45 =	vor.u32 v58, v45  }
0xbd: {  	v63 =	vld [tilespmem:s20+$0x8B00];
	v45 =	vor.u32 v59, v45  }
0xbe: {  	v52 =	vld [tilespmem:s20+$0x8B80];
	v45 =	vor.u32 v50, v45  }
0xbf: {  	v53 =	vld [tilespmem:s20+$0x8C00];
	v45 =	vor.u32 v60, v45  }
0xc0: {  	v54 =	vld [tilespmem:s20+$0x8C80];
	v45 =	vor.u32 v61, v45  }
0xc1: {  	v55 =	vld [tilespmem:s20+$0x8D00];
	v45 =	vor.u32 v62, v45  }
0xc2: {  	v56 =	vld [tilespmem:s20+$0x8D80];
	v45 =	vor.u32 v63, v45  }
0xc3: {  	v57 =	vld [tilespmem:s20+$0x8E00];
	v45 =	vor.u32 v52, v45  }
0xc4: {  	v45 =	vor.u32 v53, v45  }
0xc5: {  	v45 =	vor.u32 v54, v45  }
0xc6: {  	v45 =	vor.u32 v55, v45  }
0xc7: {  	s22 =	sadd.s32 s18, s5;
	v45 =	vor.u32 v56, v45  }
0xc8: {  	p0 =	slt.u32 s22, $0x2710;
	vm2 =	vmmov vm0;
	v45 =	vor.u32 v57, v45  }
0xc9: {  	vm2 =	vmneg @p0 vm2;
	vm3 =	vgt.s32 v45, $0x0  }
0xca: {  	vm2 =	vmand vm2, vm3  }
0xcb: {  	(xrf0) =	vadd.scan.msk.s32 $0xffff, v44;
	v58 =	vsel vm2, $0x1, v1  }
0xcc: {  	(xrf0) =	vadd.scan.msk.s32 $0xffff, v58;
	_ =	sdelay $0x3  }
0xcd: {  	v59, _, _ =	vpop (xrf0)  }
0xce: {  	(v2sf) =	vpush v59, $0xF;
	v60, _, _ =	vpop (xrf0)  }
0xcf: {  	(v2sf) =	vpush v60, $0xF;
	v61, _, _ =	vpop (xrf0)  }
0xd0: {  	(v2sf) =	vpush v61, $0xF;
	_ =	sdelay $0xc  }
0xd1: {  	s25 =	spop (v2sf)  }
0xd2: {  	s13 =	sadd.s32 s13, s25;
	s26 =	spop (v2sf)  }
0xd3: {  	s13 =	sadd.s32 s13, s26;
	s20 =	spop (v2sf)  }
0xd4: {  	s19 =	sadd.s32 $0x10, s19;
	s13 =	sadd.s32 s13, s20  }
0xd5: {  	[tilespmem:s19+$0x0] =	vst v58;
	v44 =	vmov s13  }
0xd6: {  	s21 =	simm.s32 $0xAA00;
	[tilespmem:$0xAA00] =	vst v44  }
0xd7: {  	[spmem:s11] =	stream.linear.scatter [tilespmem:s21], [sflag:$0x2], $0x10, $0x38;
	[tilespmem:$0xD390] =	vst v63  }
0xd8: {  	_ =	swait.ge [sflag:s14], $0x10  }
0xd9: {  	[sflag:s14] =	ssyncset.done $0x0  }
0xda: {  	[sflag:s14] =	ssyncadd.s32 $0xFFFFFFF0  }
0xdb: {  	[bflag:$0x0] =	sbarrier.arrive $0xFFFF  }
0xdc: {  	s22 =	rddreg [dreg:$0x2]  }
0xdd: {  	[tilespmem:s23], [sflag:$0x2] =	stream.linear.gather [spmem:s22], $0x100, $0x38;
	[tilespmem:$0xD390] =	vst v63  }
0xde: {  	_ =	swait.ge [sflag:s14], $0x100  }
0xdf: {  	[sflag:s14] =	ssyncset.done $0x0  }
0xe0: {  	[sflag:s14] =	ssyncadd.s32 $0xFFFFFF00  }
0xe1: {  	v62 =	vld.idx.msk [tilespmem:v4+s23+$0x0], $0xffff;
	_ =	sdelay $0x4  }
0xe2: {  	v45 =	vnsel vm1, $0x0, v62  }
0xe3: {  	(xrf0) =	vadd.scan.msk.s32 $0xffff, v45;
	_ =	sdelay $0x5  }
0xe4: {  	v45, _, _ =	vpop (xrf0)  }
0xe5: {  	(v2sf) =	vpush v45, $0xF;
	_ =	sdelay $0xe  }
0xe6: {  	s25 =	spop (v2sf)  }
0xe7: {  	s13 =	sadd.s32 s2, s25  }
0xe8: {  	vm2 =	vgt.s32 v44, v3;
	v63 =	vadd.s32 s13, v3  }
0xe9: {  	v48 =	vadd.s32 s13, v5;
	v45 =	vsel vm2, v63, v0;
	vm2 =	vgt.s32 v44, v5  }
0xea: {  	v50 =	vadd.s32 s13, v6;
	[tilespmem:$0xA380] =	vst v45;
	v49 =	vsel vm2, v48, v0;
	vm2 =	vgt.s32 v44, v6  }
0xeb: {  	v52 =	vadd.s32 s13, v7;
	[tilespmem:$0xA390] =	vst v49;
	v51 =	vsel vm2, v50, v0;
	vm2 =	vgt.s32 v44, v7  }
0xec: {  	v54 =	vadd.s32 s13, v8;
	[tilespmem:$0xA3A0] =	vst v51;
	v53 =	vsel vm2, v52, v0;
	vm2 =	vgt.s32 v44, v8  }
0xed: {  	v56 =	vadd.s32 s13, v9;
	[tilespmem:$0xA3B0] =	vst v53;
	v55 =	vsel vm2, v54, v0;
	vm2 =	vgt.s32 v44, v9  }
0xee: {  	v58 =	vadd.s32 s13, v10;
	[tilespmem:$0xA3C0] =	vst v55;
	v57 =	vsel vm2, v56, v0;
	vm2 =	vgt.s32 v44, v10  }
0xef: {  	v60 =	vadd.s32 s13, v11;
	[tilespmem:$0xA3D0] =	vst v57;
	v59 =	vsel vm2, v58, v0;
	vm2 =	vgt.s32 v44, v11  }
0xf0: {  	v62 =	vadd.s32 s13, v12;
	[tilespmem:$0xA3E0] =	vst v59;
	v61 =	vsel vm2, v60, v0;
	vm2 =	vgt.s32 v44, v12  }
0xf1: {  	v48 =	vadd.s32 s13, v13;
	[tilespmem:$0xA3F0] =	vst v61;
	v63 =	vsel vm2, v62, v0;
	vm2 =	vgt.s32 v44, v13  }
0xf2: {  	v50 =	vadd.s32 s13, v14;
	[tilespmem:$0xA400] =	vst v63;
	v49 =	vsel vm2, v48, v0;
	vm2 =	vgt.s32 v44, v14  }
0xf3: {  	v52 =	vadd.s32 s13, v15;
	[tilespmem:$0xA410] =	vst v49;
	v51 =	vsel vm2, v50, v0;
	vm2 =	vgt.s32 v44, v15  }
0xf4: {  	v54 =	vadd.s32 s13, v16;
	[tilespmem:$0xA420] =	vst v51;
	v53 =	vsel vm2, v52, v0;
	vm2 =	vgt.s32 v44, v16  }
0xf5: {  	v56 =	vadd.s32 s13, v17;
	[tilespmem:$0xA430] =	vst v53;
	v55 =	vsel vm2, v54, v0;
	vm2 =	vgt.s32 v44, v17  }
0xf6: {  	v58 =	vadd.s32 s13, v18;
	[tilespmem:$0xA440] =	vst v55;
	v57 =	vsel vm2, v56, v0;
	vm2 =	vgt.s32 v44, v18  }
0xf7: {  	v60 =	vadd.s32 s13, v19;
	[tilespmem:$0xA450] =	vst v57;
	v59 =	vsel vm2, v58, v0;
	vm2 =	vgt.s32 v44, v19  }
0xf8: {  	v62 =	vadd.s32 s13, v20;
	[tilespmem:$0xA460] =	vst v59;
	v61 =	vsel vm2, v60, v0;
	vm2 =	vgt.s32 v44, v20  }
0xf9: {  	v48 =	vadd.s32 s13, v21;
	[tilespmem:$0xA470] =	vst v61;
	v63 =	vsel vm2, v62, v0;
	vm2 =	vgt.s32 v44, v21  }
0xfa: {  	v50 =	vadd.s32 s13, v22;
	[tilespmem:$0xA480] =	vst v63;
	v49 =	vsel vm2, v48, v0;
	vm2 =	vgt.s32 v44, v22  }
0xfb: {  	v52 =	vadd.s32 s13, v23;
	[tilespmem:$0xA490] =	vst v49;
	v51 =	vsel vm2, v50, v0;
	vm2 =	vgt.s32 v44, v23  }
0xfc: {  	v54 =	vadd.s32 s13, v24;
	[tilespmem:$0xA4A0] =	vst v51;
	v53 =	vsel vm2, v52, v0;
	vm2 =	vgt.s32 v44, v24  }
0xfd: {  	v56 =	vadd.s32 s13, v25;
	[tilespmem:$0xA4B0] =	vst v53;
	v55 =	vsel vm2, v54, v0;
	vm2 =	vgt.s32 v44, v25  }
0xfe: {  	v58 =	vadd.s32 s13, v26;
	[tilespmem:$0xA4C0] =	vst v55;
	v57 =	vsel vm2, v56, v0;
	vm2 =	vgt.s32 v44, v26  }
0xff: {  	v60 =	vadd.s32 s13, v27;
	[tilespmem:$0xA4D0] =	vst v57;
	v59 =	vsel vm2, v58, v0;
	vm2 =	vgt.s32 v44, v27  }
0x100: {  	v62 =	vadd.s32 s13, v28;
	[tilespmem:$0xA4E0] =	vst v59;
	v61 =	vsel vm2, v60, v0;
	vm2 =	vgt.s32 v44, v28  }
0x101: {  	v48 =	vadd.s32 s13, v29;
	[tilespmem:$0xA4F0] =	vst v61;
	v63 =	vsel vm2, v62, v0;
	vm2 =	vgt.s32 v44, v29  }
0x102: {  	v50 =	vadd.s32 s13, v30;
	[tilespmem:$0xA500] =	vst v63;
	v49 =	vsel vm2, v48, v0;
	vm2 =	vgt.s32 v44, v30  }
0x103: {  	v52 =	vadd.s32 s13, v31;
	[tilespmem:$0xA510] =	vst v49;
	v51 =	vsel vm2, v50, v0;
	vm2 =	vgt.s32 v44, v31  }
0x104: {  	v54 =	vadd.s32 s13, v32;
	[tilespmem:$0xA520] =	vst v51;
	v53 =	vsel vm2, v52, v0;
	vm2 =	vgt.s32 v44, v32  }
0x105: {  	v56 =	vadd.s32 s13, v33;
	[tilespmem:$0xA530] =	vst v53;
	v55 =	vsel vm2, v54, v0;
	vm2 =	vgt.s32 v44, v33  }
0x106: {  	v58 =	vadd.s32 s13, v34;
	[tilespmem:$0xA540] =	vst v55;
	v57 =	vsel vm2, v56, v0;
	vm2 =	vgt.s32 v44, v34  }
0x107: {  	v60 =	vadd.s32 s13, v35;
	[tilespmem:$0xA550] =	vst v57;
	v59 =	vsel vm2, v58, v0;
	vm2 =	vgt.s32 v44, v35  }
0x108: {  	v62 =	vadd.s32 s13, v36;
	[tilespmem:$0xA560] =	vst v59;
	v61 =	vsel vm2, v60, v0;
	vm2 =	vgt.s32 v44, v36  }
0x109: {  	v48 =	vadd.s32 s13, v37;
	[tilespmem:$0xA570] =	vst v61;
	v63 =	vsel vm2, v62, v0;
	vm2 =	vgt.s32 v44, v37  }
0x10a: {  	v50 =	vadd.s32 s13, v38;
	[tilespmem:$0xA580] =	vst v63;
	v49 =	vsel vm2, v48, v0;
	vm2 =	vgt.s32 v44, v38  }
0x10b: {  	v52 =	vadd.s32 s13, v39;
	[tilespmem:$0xA590] =	vst v49;
	v51 =	vsel vm2, v50, v0;
	vm2 =	vgt.s32 v44, v39  }
0x10c: {  	v54 =	vadd.s32 s13, v40;
	[tilespmem:$0xA5A0] =	vst v51;
	v53 =	vsel vm2, v52, v0;
	vm2 =	vgt.s32 v44, v40  }
0x10d: {  	v56 =	vadd.s32 s13, v41;
	[tilespmem:$0xA5B0] =	vst v53;
	v55 =	vsel vm2, v54, v0;
	vm2 =	vgt.s32 v44, v41  }
0x10e: {  	v58 =	vadd.s32 s13, v42;
	[tilespmem:$0xA5C0] =	vst v55;
	v57 =	vsel vm2, v56, v0;
	vm2 =	vgt.s32 v44, v42  }
0x10f: {  	v60 =	vadd.s32 s13, v43;
	[tilespmem:$0xA5D0] =	vst v57;
	v59 =	vsel vm2, v58, v0;
	vm2 =	vgt.s32 v44, v43  }
0x110: {  	[tilespmem:$0xA5E0] =	vst v59;
	v44 =	vsel vm2, v60, v0  }
0x111: {  	s26 =	simm.s32 $0x0;
	[tilespmem:$0xA5F0] =	vst v44  }
0x112: {  	v44 =	vld [tilespmem:s26+$0x9E80];
	_ =	sdelay $0x4  }
0x113: {  	vm2 =	vgt.s32 v44, $0x0  }
0x114: {  	v44 =	vsel vm2, $0x1, v1  }
0x115: {  	(xrf0) =	vadd.scan.msk.s32 $0xffff, v44;
	_ =	sdelay $0x1  }
0x116: {  	s13 =	simm.s32 $0x0  }
0x117: {  	v61 =	vmov s13  }
0x118: {  	v44 =	vadd.s32 $0xFFFFFFFF, v61  }
0x119: {  	v44 =	vbroadcast v44, $0x0  }
0x11a: {  	v62, _, _ =	vpop (xrf0)  }
0x11b: {  	v44 =	vadd.s32 v62, v44;
	(v2sf) =	vpush v62, $0xF  }
0x11c: {  	v44 =	vnsel vm2, $0x0, v44;
	_ =	sdelay $0x3  }
0x11d: {  	v63 =	vor.u32 s5, v3  }
0x11e: {  	s18 =	smov.u32 s5;
	s19 =	simm.s32 $0x80;
	s20 =	simm.s32 $0x10;
	[tilespmem:v44+s24+$0x0] =	vst.idx.msk vm2, v63  }
.LBB2_8:
0x11f: {  	p0 =	sne.s32 s19, $0x9C0;
	v44 =	vld [tilespmem:s20+$0x9E80];
	_ =	sdelay $0x4  }
0x120: {  	vm2 =	vgt.s32 v44, $0x0  }
0x121: {  	v44 =	vsel vm2, $0x1, v1  }
0x122: {  	(xrf0) =	vadd.scan.msk.s32 $0xffff, v44  }
0x123: {  	s20 =	spop (v2sf)  }
0x124: {  	s13 =	sadd.s32 s13, s20  }
0x125: {  	v44 =	vmov s13  }
0x126: {  	v44 =	vadd.s32 $0xFFFFFFFF, v44  }
0x127: {  	v44 =	vbroadcast v44, $0x0  }
0x128: {  	v45, _, _ =	vpop (xrf0)  }
0x129: {  	v44 =	vadd.s32 v45, v44;
	(v2sf) =	vpush v45, $0xF  }
0x12a: {  	v44 =	vnsel vm2, $0x0, v44  }
.Ltmp3:
0x12b: {  	(pc) =	sbr.rel @p0 .LBB2_8-.Ltmp3, $4  }
0x12c: {  	_ = 	snop  }
0x12d: {  	s18 =	sadd.s32 $0x10, s18  }
0x12e: {  	v45 =	vor.u32 s18, v3  }
0x12f: {  	s20 =	sshra.s32 s19, $0x2;
	s19 =	sadd.s32 $0x40, s19;
	[tilespmem:v44+s24+$0x0] =	vst.idx.msk vm2, v45  }
0x130: {  	v44 =	vld [tilespmem:s20+$0x9E80];
	_ =	sdelay $0x4  }
0x131: {  	vm2 =	vgt.s32 v44, $0x0  }
0x132: {  	v44 =	vsel vm2, $0x1, v1  }
0x133: {  	(xrf0) =	vadd.scan.msk.s32 $0xffff, v44;
	_ =	sdelay $0x1  }
0x134: {  	s19 =	spop (v2sf)  }
0x135: {  	s13 =	sadd.s32 s13, s19  }
0x136: {  	v62 =	vmov s13  }
0x137: {  	v44 =	vadd.s32 $0xFFFFFFFF, v62  }
0x138: {  	v44 =	vbroadcast v44, $0x0;
	v45, _, _ =	vpop (xrf0)  }
0x139: {  	(v2sf) =	vpush v45, $0xF  }
0x13a: {  	v44 =	vadd.s32 v45, v44  }
0x13b: {  	v44 =	vnsel vm2, $0x0, v44;
	_ =	sdelay $0x2  }
0x13c: {  	s21 =	sadd.s32 $0x10, s18  }
0x13d: {  	v63 =	vor.u32 s21, v3  }
0x13e: {  	s22 =	simm.s32 $0xA380;
	[tilespmem:v44+s24+$0x0] =	vst.idx.msk vm2, v63  }
0x13f: {  	[hbm4b:s6+s17] =	stream.indirect.scatter [tilespmem:s24], [sflag:$0x1], $0x1, s22, s17, $0xb8;
	[tilespmem:$0xD390] =	vst v63  }
0x140: {  	s25 =	simm.s32 $0xA400  }
0x141: {  	[hbm4b:s6+s17] =	stream.indirect.scatter [tilespmem:s28], [sflag:$0x1], $0x1, s25, s17, $0xb8;
	[tilespmem:$0xD390] =	vst v63  }
0x142: {  	_ = 	snop  }
0x143: {  	[hbm4b:s6+s17] =	stream.indirect.scatter [tilespmem:s30], [sflag:$0x1], $0x1, s29, s17, $0xb8;
	[tilespmem:$0xD390] =	vst v63  }
0x144: {  	_ = 	snop  }
0x145: {  	[hbm4b:s6+s17] =	stream.indirect.scatter [tilespmem:s1], [sflag:$0x1], $0x1, s31, s17, $0xb8;
	[tilespmem:$0xD390] =	vst v63  }
0x146: {  	s26 =	spop (v2sf)  }
0x147: {  	[hbm4b:s6+s17] =	stream.indirect.scatter [tilespmem:s3], [sflag:$0x1], $0x1, s0, s17, $0xb8;
	[tilespmem:$0xD390] =	vst v63  }
0x148: {  	_ =	swait.ge [sflag:s15], $0x80  }
0x149: {  	[sflag:s15] =	ssyncset.done $0x0  }
0x14a: {  	[sflag:s15] =	ssyncadd.s32 $0xFFFFFF80  }
0x14b: {  	_ =	swait.ge [sflag:s15], $0x80  }
0x14c: {  	[sflag:s15] =	ssyncset.done $0x0  }
0x14d: {  	[sflag:s15] =	ssyncadd.s32 $0xFFFFFF80  }
0x14e: {  	_ =	swait.ge [sflag:s15], $0x80  }
0x14f: {  	[sflag:s15] =	ssyncset.done $0x0  }
0x150: {  	s4 =	sadd.s32 $0x1, s4;
	[sflag:s15] =	ssyncadd.s32 $0xFFFFFF80  }
0x151: {  	p0 =	sne.s32 s4, s12;
	_ =	swait.ge [sflag:s15], $0x80  }
.Ltmp4:
0x152: {  	[sflag:s15] =	ssyncset.done $0x0;
	(pc) =	sbr.rel @p0 .LBB2_1-.Ltmp4, $4  }
0x153: {  	[sflag:s15] =	ssyncadd.s32 $0xFFFFFF80  }
0x154: {  	_ =	swait.ge [sflag:s15], $0x80  }
0x155: {  	[sflag:s15] =	ssyncset.done $0x0  }
0x156: {  	[sflag:s15] =	ssyncadd.s32 $0xFFFFFF80  }
0x157: {  	_ =	sfence.sel $0x180000  }
0x158: {  	[bflag:$0x0] =	sbarrier.arrive $0xFFFF  }
0x159: {  	_ =	strace $0x90000047  }
0x15a: {  	s0 =	stileid.u32;
	[bflag:$0x2] =	sbarrier.arrive $0xFFFF  }
0x15b: {  	p0 =	sne.s32 s0, $0x0;
	s0 =	rddreg [dreg:$0x3]  }
0x15c: {  	s0 =	sadd.s32 @!p0 $0x100000, s0  }
0x15d: {  	[sflag:s0] =	ssyncadd.tile.s32 @!p0 $0x1;
	_ =	shalt  }
.Lfunc_end2:
_tile_overlayer_lowered:
.L_overlay_start_2:
0x15e: {  	(tag) =	ssettag $0x2  }
0x15f: {  	s0 =	rddreg [dreg:$0x0];
	s2 =	stileid.u32  }
0x160: {  	s1 =	rddreg [dreg:$0x1];
	p0 =	sne.s32 s2, $0x0  }
0x161: {  	s3 =	rddreg [dreg:$0x2];
	[bflag:$0x3] =	sbarrier.arrive $0xFFFF;
	s2 =	simm.s32 @!p0 $0x1C02  }
0x162: {  	[timem:s3], [sflag:s2] =	dma.local @!p0 [hbm:s0], s1  }
0x163: {  	s0 =	simm.s32 @!p0 $0x2  }
0x164: {  	_ =	swait.ge @!p0 [sflag:s0], s1  }
0x165: {  	s1 =	ssub.s32 @!p0 $0x0, s1;
	[sflag:s0] =	ssyncset.done @!p0 $0x0  }
0x166: {  	[sflag:s0] =	ssyncadd.s32 @!p0 s1  }
0x167: {  	[bflag:$0x3] =	sbarrier.arrive $0xFFFF  }
0x168: {  	_ =	shalt  }

// kernel: kernel.8.cloned.1.call-start
scs
__scs_entry_jumppad:
0x0: {  	(pc) =	sbr.rel $0x88, $3  }
0x1: {  	(tag) =	ssettag $0x0;
	lr =	simm.s32 $0x1  }
0x2: {  	[smem:$0x3F96] =	sst lr;
	_ =	strace $0xD0000000  }
0x3: {  	_ = 	snop  }
0x4: {  	_ = 	snop  }
0x5: {  	_ = 	snop  }
0x6: {  	_ = 	snop  }
0x7: {  	_ = 	snop  }
__scs_overlays_trampoline_lowered:
0x8: {  	[smem:$0x3FA5] =	sst s0  }
0x9: {  	[smem:$0x3FA6] =	sst s1  }
0xa: {  	[smem:$0x3FA7] =	sst s2  }
0xb: {  	[smem:$0x3FA8] =	sst s3  }
0xc: {  	[smem:$0x3FA9] =	sst s4  }
0xd: {  	[smem:$0x3FAA] =	sst s5  }
0xe: {  	[smem:$0x3FAB] =	sst s6  }
0xf: {  	[smem:$0x3FAC] =	sst s7  }
0x10: {  	[smem:$0x3FAD] =	sst s8  }
0x11: {  	[smem:$0x3FAE] =	sst s9;
	s0 =	simm.s32 @!p0 $0x0  }
0x12: {  	s1 =	sld [smem:$0x3F94];
	s0 =	simm.s32 @p0 $0x1  }
0x13: {  	[smem:$0x3FAF] =	sst s0;
	s0 =	simm.s32 @!p1 $0x0  }
0x14: {  	s2 =	sld [smem:$0x3F93];
	s0 =	simm.s32 @p1 $0x1  }
0x15: {  	[smem:$0x3FB0] =	sst s0;
	s0 =	simm.s32 @!p2 $0x0  }
0x16: {  	s3 =	sld [smem:$0x3FDB];
	s0 =	simm.s32 @p2 $0x1  }
0x17: {  	s4 =	simm.s32 $0x1BF5;
	[smem:$0x3FB2] =	sst s0  }
0x18: {  	s0 =	sld [smem:$0x3F95];
	_ =	swait.ge [sflag:s4], $0x0  }
0x19: {  	s7 =	sld [smem:$0x3F96]  }
0x1a: {  	s8 =	sadd.s32 $0xFFFFE003, lr  }
0x1b: {  	s9 =	sadd.s32 $0xFFFFFEF7, lr;
	s5 =	simm.s32 $0xFFFFFFFF;
	p2 =	slt.u32 s8, $0xFFFFF086  }
0x1c: {  	p1 =	slt.u32 s9, $0xF7A;
	s5 =	simm.s32 @!p2 $0x0  }
0x1d: {  	s5 =	simm.s32 @p1 $0x1;
	p0 =	seq.s32 s7, s2  }
0x1e: {  	s7 =	smul.u32 @!p0 $0xF7A, s2;
	p2 =	seq.s32 @!p0 s5, $0x0  }
0x1f: {  	s9 =	smul.u32 $0xF7A, s1;
	s8 =	simm.s32 @!p0 $0x1BF5;
	p2 =	por !p2, p0  }
0x20: {  	[sflag:s8] =	ssyncset.s32 @!p0 $0xFFFFF086;
	s6 =	sadd.s32 @!p0 s3, s7;
	s7 =	simm.s32 @!p0 $0x108  }
0x21: {  	s3 =	sadd.s32 s3, s9;
	s6 =	sadd.s32 @!p0 $0x88, s6;
	s7 =	simm.s32 @p2 $0x1082  }
0x22: {  	[simem:s7], [sflag:s8] =	dma.local @!p0 [hbm:s6], $0xF7A  }
0x23: {  	s9 =	sor.u32 $0xD0000000, s2;
	s6 =	simm.s32 $0x108;
	_ =	swait.ge @!p0 [sflag:s8], $0x0  }
0x24: {  	s3 =	sadd.s32 $0x88, s3;
	s6 =	simm.s32 @!p1 $0x1082;
	[sflag:s4] =	ssyncset.s32 $0xFFFFF086  }
0x25: {  	[simem:s6], [sflag:s4] =	dma.local [hbm:s3], $0xF7A  }
0x26: {  	[smem:$0x3F96] =	sst s1;
	(tag) =	ssettag s2;
	_ =	strace s9  }
0x27: {  	s1 =	sld [smem:$0x3FA6]  }
0x28: {  	s2 =	sld [smem:$0x3FA7]  }
0x29: {  	s4 =	sld [smem:$0x3FA9]  }
0x2a: {  	p0 =	seq.s32 s5, $0x0;
	s5 =	sld [smem:$0x3FAA]  }
0x2b: {  	s6 =	sld [smem:$0x3FAB]  }
0x2c: {  	s7 =	sld [smem:$0x3FAC]  }
0x2d: {  	s3 =	simm.s32 $0x108;
	s8 =	sld [smem:$0x3FAD]  }
0x2e: {  	s3 =	simm.s32 @!p0 $0x1082;
	s9 =	sld [smem:$0x3FAE]  }
0x2f: {  	lr =	sadd.s32 s0, s3;
	s0 =	sld [smem:$0x3FA5]  }
0x30: {  	s3 =	sld [smem:$0x3FA8]  }
0x31: {  	[smem:$0x3FB1] =	sst s10  }
0x32: {  	s10 =	sld [smem:$0x3FAF];
	_ =	sdelay $0x3  }
0x33: {  	p0 =	seq.s32 s10, $0x1;
	s10 =	sld [smem:$0x3FB1];
	_ =	sdelay $0x3  }
0x34: {  	[smem:$0x3FB1] =	sst s10  }
0x35: {  	s10 =	sld [smem:$0x3FB0];
	_ =	sdelay $0x3  }
0x36: {  	p1 =	seq.s32 s10, $0x1;
	s10 =	sld [smem:$0x3FB1];
	_ =	sdelay $0x3  }
0x37: {  	[smem:$0x3FB1] =	sst s10  }
0x38: {  	s10 =	sld [smem:$0x3FB2]  }
0x39: {  	_ = 	snop;
	(pc) =	sbr.ind lr, $3  }
0x3a: {  	_ = 	snop  }
0x3b: {  	_ = 	snop  }
0x3c: {  	p2 =	seq.s32 s10, $0x1;
	s10 =	sld [smem:$0x3FB1]  }
0x3d: {  	_ =	shalt  }
0x3e: {  	_ =	shalt  }
0x3f: {  	_ =	shalt  }
0x40: {  	_ =	shalt  }
0x41: {  	_ =	shalt  }
0x42: {  	_ =	shalt  }
0x43: {  	_ =	shalt  }
0x44: {  	_ =	shalt  }
0x45: {  	_ =	shalt  }
0x46: {  	_ =	shalt  }
0x47: {  	_ =	shalt  }
0x48: {  	_ =	shalt  }
0x49: {  	_ =	shalt  }
0x4a: {  	_ =	shalt  }
0x4b: {  	_ =	shalt  }
0x4c: {  	_ =	shalt  }
0x4d: {  	_ =	shalt  }
0x4e: {  	_ =	shalt  }
0x4f: {  	_ =	shalt  }
0x50: {  	_ =	shalt  }
0x51: {  	_ =	shalt  }
0x52: {  	_ =	shalt  }
0x53: {  	_ =	shalt  }
0x54: {  	_ =	shalt  }
0x55: {  	_ =	shalt  }
0x56: {  	_ =	shalt  }
0x57: {  	_ =	shalt  }
0x58: {  	_ =	shalt  }
0x59: {  	_ =	shalt  }
0x5a: {  	_ =	shalt  }
0x5b: {  	_ =	shalt  }
0x5c: {  	_ =	shalt  }
0x5d: {  	_ =	shalt  }
0x5e: {  	_ =	shalt  }
0x5f: {  	_ =	shalt  }
0x60: {  	_ =	shalt  }
0x61: {  	_ =	shalt  }
0x62: {  	_ =	shalt  }
0x63: {  	_ =	shalt  }
0x64: {  	_ =	shalt  }
0x65: {  	_ =	shalt  }
0x66: {  	_ =	shalt  }
0x67: {  	_ =	shalt  }
0x68: {  	_ =	shalt  }
0x69: {  	_ =	shalt  }
0x6a: {  	_ =	shalt  }
0x6b: {  	_ =	shalt  }
0x6c: {  	_ =	shalt  }
0x6d: {  	_ =	shalt  }
0x6e: {  	_ =	shalt  }
0x6f: {  	_ =	shalt  }
0x70: {  	_ =	shalt  }
0x71: {  	_ =	shalt  }
0x72: {  	_ =	shalt  }
0x73: {  	_ =	shalt  }
0x74: {  	_ =	shalt  }
0x75: {  	_ =	shalt  }
0x76: {  	_ =	shalt  }
0x77: {  	_ =	shalt  }
0x78: {  	_ =	shalt  }
0x79: {  	_ =	shalt  }
0x7a: {  	_ =	shalt  }
0x7b: {  	_ =	shalt  }
0x7c: {  	_ =	shalt  }
0x7d: {  	_ =	shalt  }
0x7e: {  	_ =	shalt  }
0x7f: {  	_ =	shalt  }
0x80: {  	_ =	shalt  }
0x81: {  	_ =	shalt  }
0x82: {  	_ =	shalt  }
0x83: {  	_ =	shalt  }
0x84: {  	_ =	shalt  }
0x85: {  	_ =	shalt  }
0x86: {  	_ =	shalt  }
0x87: {  	_ =	shalt  }
.Lfunc_end0:
.L_simem_size_0:
called_computation.1_lowered:
.L_overlay_start_0:
0x88: {  	s2 =	sld [smem:$0x3FD9]  }
0x89: {  	s3 =	sld [smem:$0x3FFE];
	_ =	sdelay $0x1  }
0x8a: {  	s1 =	srdreg.scid  }
0x8b: {  	s0 =	sand.u32 $0x1, s1  }
0x8c: {  	s16 =	sshll.u32 s0, $0xA;
	s2 =	sadd.s32 s3, s2  }
0x8d: {  	s2 =	sadd.s32 s2, s16  }
0x8e: {  	[smem:$0x3FBD] =	sst s2  }
0x8f: {  	_ = 	snop  }
0x90: {  	(tm) =	ssettm $0x1  }
0x91: {  	s17 =	sld [smem:$0x3FFB];
	_ =	sdelay $0x3  }
0x92: {  	_ =	strace s17  }
0x93: {  	s2 =	sld [smem:$0x3FFC];
	_ =	sdelay $0x3  }
0x94: {  	_ =	strace s2  }
0x95: {  	s2 =	sld [smem:$0x3FFD];
	_ =	sdelay $0x3  }
0x96: {  	_ =	strace s2  }
0x97: {  	_ =	strace $0x8FFFFFFF  }
0x98: {  	s18 =	sld [smem:$0x3FDB];
	_ =	sdelay $0x1  }
0x99: {  	s19 =	simm.s32 $_scs_section_size  }
0x9a: {  	s4 =	simm.s32 $_size__tile_overlayer_lowered;
	s5 =	simm.s32 $_tile_overlayer_lowered  }
0x9b: {  	s22 =	simm.s32 $0x1BFF;
	s21 =	sshll.u32 s5, $0x1;
	s2 =	sadd.s32 s19, s18  }
0x9c: {  	s6 =	simm.s32 $0x0;
	s20 =	sshll.u32 s4, $0x1;
	s4 =	sadd.s32 s21, s2  }
0x9d: {  	[timem:s6], [sflag:s22] =	dma.local [hbm:s4], s20  }
0x9e: {  	_ =	swait.ge [sflag:s22], s20  }
0x9f: {  	s3 =	ssub.s32 $0x0, s20;
	[sflag:s22] =	ssyncset.done $0x0  }
0xa0: {  	[sflag:s22] =	ssyncadd.s32 s3;
	_ =	sdelay $0x1  }
0xa1: {  	s23 =	simm.s32 $0x1B8B  }
0xa2: {  	_ =	swait.ge [sflag:s23], $0x1  }
0xa3: {  	[sflag:s23] =	ssyncset.done $0x0  }
0xa4: {  	s25 =	simm.s32 $0x1B8E;
	s24 =	sld [smem:$0x3FFE];
	[sflag:s23] =	ssyncadd.s32 $0xFFFFFFFF  }
0xa5: {  	s26 =	simm.s32 $execute0_lowered;
	[smem:$0x3FD2] =	sst s25  }
0xa6: {  	s4 =	sshll.u32 s26, $0x1;
	_ =	strace $0x80000049;
	[dreg:$0x1] =	wrdreg $0xFFFFFFFF  }
0xa7: {  	s28 =	simm.s32 $_size_execute0_lowered;
	s2 =	sadd.s32 s2, s4;
	[dreg:$0x0] =	wrdreg $0x0  }
0xa8: {  	s4 =	sshll.u32 s28, $0x1;
	[dreg:$0x2] =	wrdreg s2  }
0xa9: {  	[dreg:$0x3] =	wrdreg s4  }
0xaa: {  	[dreg:$0x4] =	wrdreg $0xC0  }
0xab: {  	_ =	task [dreg:s6], $0x5FFFF  }
0xac: {  	[dreg:$0x1] =	wrdreg $0xFFFFFFFF  }
0xad: {  	[dreg:$0x0] =	wrdreg $0x60  }
0xae: {  	[dreg:$0x2] =	wrdreg s24  }
0xaf: {  	[dreg:$0x3] =	wrdreg $0x9  }
0xb0: {  	_ =	task.clear_ibuf [dreg:s6], $0x4FFFF;
	_ =	strace $0x90000049  }
0xb1: {  	s29 =	simm.s32 $0x9;
	_ =	strace $0x8000004B  }
0xb2: {  	_ =	swait.ge [sflag:s29], $0x1  }
0xb3: {  	[sflag:s29] =	ssyncadd.s32 $0xFFFFFFFF  }
0xb4: {  	_ =	strace $0x9000004B  }
0xb5: {  	_ =	sfence  }
0xb6: {  	s30 =	sld [smem:$0x0];
	_ =	sdelay $0x2  }
0xb7: {  	s31 =	sshll.u32 s1, $0xD;
	s1 =	sshrl.u32 s1, $0x2  }
0xb8: {  	s3 =	sand.u32 $0x4000, s31;
	s1 =	sadd.s32 s1, s30  }
0xb9: {  	s0 =	sor.u32 s3, s0;
	s1 =	sshll.u32 s1, $0x11  }
0xba: {  	s0 =	sor.u32 s1, s0  }
0xbb: {  	s0 =	sadd.s32 $0x8F2B, s0  }
0xbc: {  	[sflag:s0] =	ssyncadd.remote.s32 $0x1  }
0xbd: {  	_ =	sfence.sel $0xFFFF  }
0xbe: {  	[dreg:$0x0] =	wrdreg $0xFFFFFFFF;
	(pc) =	sbr.abs _section_cstart, $3  }
0xbf: {  	[dreg:$0x1] =	wrdreg $0xFFFFFFFF  }
0xc0: {  	_ =	task.clear_ibuf [dreg:s6], $0x2FFFF;
	_ =	strace $0x9FFFFFFF  }
0xc1: {  	(tm) =	ssettm $0x7FFFFFFF  }
tec
execute0_lowered:
.L_overlay_start_1:
0x0: {  	(tag) =	ssettag $0x1  }
0x1: {  	s0 =	srdreg.scid;
	s1 =	stileid.u32  }
0x2: {  	s3 =	rddreg [dreg:$0x0];
	s4 =	sand.u32 $0x1, s0;
	s6 =	smul.u32 $0x280, s1  }
0x3: {  	s2 =	simm.s32 $0x0;
	s8 =	simm.s32 $0x1;
	s5 =	smul.u32 $0x2800, s4  }
0x4: {  	s9 =	simm.s32 $0x2A80;
	s10 =	simm.s32 $0x0;
	[smem:$0x7FF] =	sst s2  }
0x5: {  	s0 =	rddreg [dreg:$0x1];
	_ =	strace $0x8000004A;
	s6 =	sadd.s32 s6, s5  }
0x6: {  	s4 =	ssub.s32 $0x2, s4;
	s5 =	sshrl.u32 s5, $0x3;
	s6 =	sshrl.u32 s6, $0x3  }
0x7: {  	s31 =	sshrl.u32 s4, $0x1;
	s5 =	sadd.s32 s5, s3;
	s6 =	sadd.s32 s6, s3  }
0x8: {  	s7 =	ssub.s32 s4, s31;
	s3 =	sadd.s32 $0x14A00, s5;
	s4 =	sadd.s32 $0x14000, s6  }
0x9: {  	s5 =	sadd.s32 $0x600, s6;
	s6 =	smax.u32 s7, $0x1;
	s7 =	simm.s32 $0x280  }
.LBB2_1:
0xa: {  	[tilespmem:s7], [sflag:$0x1] =	stream.linear.gather [hbm4b:s3+s2], $0x2800, $0x38;
	[tilespmem:$0x2D00] =	vst v63  }
0xb: {  	_ =	swait.ge [sflag:s8], $0x2800  }
0xc: {  	[sflag:s8] =	ssyncset.done $0x0  }
0xd: {  	[sflag:s8] =	ssyncadd.s32 $0xFFFFD800  }
0xe: {  	[tilespmem:s2], [sflag:$0x1] =	stream.linear.gather [hbm4b:s4+s2], $0x280, $0x38;
	[tilespmem:$0x2D00] =	vst v63  }
0xf: {  	_ =	swait.ge [sflag:s8], $0x280  }
0x10: {  	[sflag:s8] =	ssyncset.done $0x0  }
0x11: {  	s11 =	simm.s32 $0x0;
	[sflag:s8] =	ssyncadd.s32 $0xFFFFFD80  }
0x12: {  	v0 =	vld [tilespmem:s11+$0x0];
	_ =	sdelay $0x7  }
0x13: {  	s12 =	simm.s32 $0x10;
	s13 =	simm.s32 $0x80;
	v0 =	vld.idx.msk [tilespmem:v0+s7+$0x0], $0xffff  }
.LBB2_2:
0x14: {  	p0 =	sne.s32 s13, $0x9C0;
	v1 =	vld [tilespmem:s12+$0x0];
	_ =	sdelay $0x3  }
.Ltmp0:
0x15: {  	(pc) =	sbr.rel @p0 .LBB2_2-.Ltmp0, $2  }
0x16: {  	[tilespmem:s11+$0x2A80] =	vst v0;
	s11 =	smov.u32 s12;
	_ =	sdelay $0x2  }
0x17: {  	s12 =	sshra.s32 s13, $0x2;
	s13 =	sadd.s32 $0x40, s13;
	v0 =	vld.idx.msk [tilespmem:v1+s7+$0x0], $0xffff  }
0x18: {  	v1 =	vld [tilespmem:s12+$0x0];
	_ =	sdelay $0x6  }
0x19: {  	[tilespmem:s11+$0x2A80] =	vst v0  }
0x1a: {  	v0 =	vld.idx.msk [tilespmem:v1+s7+$0x0], $0xffff;
	_ =	sdelay $0x2  }
0x1b: {  	s10 =	sadd.s32 $0x1, s10  }
0x1c: {  	p0 =	sne.s32 s10, s6  }
.Ltmp1:
0x1d: {  	[tilespmem:s12+$0x2A80] =	vst v0;
	(pc) =	sbr.rel @p0 .LBB2_1-.Ltmp1, $4  }
0x1e: {  	[hbm4b:s5+s2] =	stream.linear.scatter [tilespmem:s9], [sflag:$0x1], $0x280, $0x38;
	[tilespmem:$0x2D00] =	vst v63  }
0x1f: {  	_ =	swait.ge [sflag:s8], $0x280  }
0x20: {  	[sflag:s8] =	ssyncset.done $0x0  }
0x21: {  	[sflag:s8] =	ssyncadd.s32 $0xFFFFFD80  }
0x22: {  	_ =	sfence.sel $0x180000  }
0x23: {  	[bflag:$0x0] =	sbarrier.arrive $0xFFFF  }
0x24: {  	p0 =	sne.s32 s1, $0x0;
	_ =	strace $0x9000004A  }
0x25: {  	s0 =	sadd.s32 @!p0 $0x100000, s0;
	[bflag:$0x2] =	sbarrier.arrive $0xFFFF  }
0x26: {  	[sflag:s0] =	ssyncadd.tile.s32 @!p0 $0x1;
	_ =	shalt  }
.Lfunc_end2:
_tile_overlayer_lowered:
.L_overlay_start_2:
0x27: {  	(tag) =	ssettag $0x2  }
0x28: {  	s0 =	rddreg [dreg:$0x0];
	s2 =	stileid.u32  }
0x29: {  	s1 =	rddreg [dreg:$0x1];
	p0 =	sne.s32 s2, $0x0  }
0x2a: {  	s3 =	rddreg [dreg:$0x2];
	[bflag:$0x3] =	sbarrier.arrive $0xFFFF;
	s2 =	simm.s32 @!p0 $0x1C01  }
0x2b: {  	[timem:s3], [sflag:s2] =	dma.local @!p0 [hbm:s0], s1  }
0x2c: {  	s0 =	simm.s32 @!p0 $0x1  }
0x2d: {  	_ =	swait.ge @!p0 [sflag:s0], s1  }
0x2e: {  	s1 =	ssub.s32 @!p0 $0x0, s1;
	[sflag:s0] =	ssyncset.done @!p0 $0x0  }
0x2f: {  	[sflag:s0] =	ssyncadd.s32 @!p0 s1  }
0x30: {  	[bflag:$0x3] =	sbarrier.arrive $0xFFFF  }
0x31: {  	_ =	shalt  }

</sc_bundles>
